<compile_context>
chip_gen: v7x
topology: tpu7x:2x2x1
jax: 0.10.2.dev20260603
libtpu: 0.0.44.dev20260713+nightly
codegen_flags: <defaults>
</compile_context>

<pallas_src>
import functools

import jax
import jax.numpy as jnp
from jax import lax
from jax.experimental import pallas as pl
from jax.experimental.pallas import tpu as pltpu
from jax.experimental.pallas import tpu_sc as plsc

N_NODES = 10000
N_EDGES = 320000
D = 128

NC = 2
NS = 16
NW = NC * NS

CHUNK = 128
TOT_CHUNKS = N_EDGES // CHUNK
STEPS = 80
N_PAD = 10240
ROWS_PER_TILE = N_PAD // NS


def _sc_segment_sum(x, ei):
    mesh = plsc.VectorSubcoreMesh(core_axis_name="c", subcore_axis_name="s")

    @functools.partial(
        pl.kernel,
        out_type=jax.ShapeDtypeStruct((NC, N_PAD, D), jnp.float32),
        mesh=mesh,
        scratch_types=[
            pltpu.VMEM((4, 2, CHUNK), jnp.int32),
            pltpu.VMEM((2, CHUNK, D), jnp.float32),
            pltpu.VMEM_SHARED((N_PAD, D), jnp.float32),
        ] + [pltpu.SemaphoreType.DMA] * 6,
    )
    def run(x_hbm, e_hbm, out_hbm, idxb, rows, hacc, *sems):
        isem = sems[:4]
        gsem = sems[4:]
        c = lax.axis_index("c")
        s = lax.axis_index("s")
        w = s * NC + c

        zeros16 = jnp.zeros((16,), jnp.float32)

        def zero_row(i, _):
            for j in range(D // 16):
                rows[0, i, pl.ds(j * 16, 16)] = zeros16
            return 0

        lax.fori_loop(0, CHUNK, zero_row, 0)

        def zero_acc(k, _):
            pltpu.sync_copy(rows.at[0], hacc.at[pl.ds(s * ROWS_PER_TILE + k * CHUNK, CHUNK)])
            return 0

        lax.fori_loop(0, ROWS_PER_TILE // CHUNK, zero_acc, 0)
        plsc.subcore_barrier()

        def edge_off(g):
            return (w + NW * g) * CHUNK

        def live(g):
            return w + NW * g < TOT_CHUNKS

        def stage_a(g, ki):
            pltpu.async_copy(e_hbm.at[0, pl.ds(edge_off(g), CHUNK)], idxb.at[ki, 0], isem[ki])
            pltpu.async_copy(e_hbm.at[1, pl.ds(edge_off(g), CHUNK)], idxb.at[ki, 1], isem[ki])

        def stage_b(g, ki, b):
            pltpu.make_async_copy(e_hbm.at[0, pl.ds(edge_off(g), CHUNK)], idxb.at[ki, 0], isem[ki]).wait()
            pltpu.make_async_copy(e_hbm.at[1, pl.ds(edge_off(g), CHUNK)], idxb.at[ki, 1], isem[ki]).wait()
            pltpu.async_copy(x_hbm.at[idxb.at[ki, 0]], rows.at[b], gsem[b])

        def stage_c(ki, b):
            pltpu.make_async_copy(x_hbm.at[idxb.at[ki, 0]], rows.at[b], gsem[b]).wait()
            pltpu.sync_copy(rows.at[b], hacc.at[idxb.at[ki, 1]], add=True)

        stage_a(0, 0)
        stage_a(1, 1)
        stage_b(0, 0, 0)
        stage_a(2, 2)
        stage_b(1, 1, 1)
        stage_a(3, 3)

        def it(i, _):
            g0 = i * 4
            for k in range(4):
                g = g0 + k
                stage_c(k, k % 2)

                @pl.when(live(g + 4))
                def _():
                    stage_a(g + 4, k)

                stage_b(g + 2, (k + 2) % 4, k % 2)
            return 0

        lax.fori_loop(0, STEPS // 4 - 1, it, 0)

        stage_c(0, 0)
        stage_c(1, 1)

        @pl.when(live(STEPS - 2))
        def _():
            stage_b(STEPS - 2, 2, 0)

        @pl.when(live(STEPS - 1))
        def _():
            stage_b(STEPS - 1, 3, 1)

        @pl.when(live(STEPS - 2))
        def _():
            stage_c(2, 0)

        @pl.when(live(STEPS - 1))
        def _():
            stage_c(3, 1)

        plsc.subcore_barrier()

        r0 = s * ROWS_PER_TILE
        pltpu.sync_copy(hacc.at[pl.ds(r0, ROWS_PER_TILE)],
                        out_hbm.at[c, pl.ds(r0, ROWS_PER_TILE)])

    return run(x, ei)


def _tc_linear_body(h0_ref, h1_ref, wt_ref, b_ref, o_ref):
    h = h0_ref[...] + h1_ref[...]
    o_ref[...] = jnp.dot(h, wt_ref[...], preferred_element_type=jnp.float32) + b_ref[...]


def _tc_linear(h0, h1, wt, b):
    bm = 1000
    return pl.pallas_call(
        _tc_linear_body,
        grid=(N_NODES // bm,),
        in_specs=[
            pl.BlockSpec((bm, D), lambda i: (i, 0)),
            pl.BlockSpec((bm, D), lambda i: (i, 0)),
            pl.BlockSpec((D, D), lambda i: (0, 0)),
            pl.BlockSpec((1, D), lambda i: (0, 0)),
        ],
        out_specs=pl.BlockSpec((bm, D), lambda i: (i, 0)),
        out_shape=jax.ShapeDtypeStruct((N_NODES, D), jnp.float32),
    )(h0, h1, wt, b)


def kernel(x, edge_index, W, b):
    partials = _sc_segment_sum(x, edge_index.astype(jnp.int32))
    return _tc_linear(partials[0], partials[1], W.T, b.reshape(1, D))

# --- scband reference (transcript-rebuilt; emitter-appended) ---
"""Pipeline reference for scband-graph-convolution-layer-6657199308987 (READ-ONLY COPY).

The authoritative reference and input builder live on the scoring server;
editing this copy changes nothing except your own understanding.
"""

import jax, jax.numpy as jnp
import numpy as np

N_NODES = 10000
N_EDGES = 320000
D_IN = 128
D_OUT = 128

def setup_inputs(seed: int = 0) -> dict:
    key = jax.random.key(seed)
    k1, k2, k3, k4 = jax.random.split(key, 4)
    x = jax.random.normal(k1, (N_NODES, D_IN), dtype=jnp.float32)
    edge_index = jax.random.randint(k2, (2, N_EDGES), 0, N_NODES, dtype=jnp.int64)
    # Linear layer params (torch nn.Linear: y = x @ W.T + b)
    bound = 1.0 / np.sqrt(D_IN)
    W = jax.random.uniform(k3, (D_OUT, D_IN), minval=-bound, maxval=bound, dtype=jnp.float32)
    b = jax.random.uniform(k4, (D_OUT,), minval=-bound, maxval=bound, dtype=jnp.float32)
    return {"x": x, "edge_index": edge_index, "W": W, "b": b}

def reference(x, edge_index, W, b):
    # GCN message passing: each edge carries src node feature; dst nodes sum incoming messages.
    src = edge_index[0]
    dst = edge_index[1]
    msgs = jnp.take(x, src, axis=0)                      # gather  [E, d_in]
    h = jnp.zeros((N_NODES, D_IN), dtype=x.dtype).at[dst].add(msgs)  # scatter-add
    # Linear: h @ W.T + b
    out = h @ W.T + b
    return out

if __name__ == "__main__":
    import jax
    _d = setup_inputs()
    print(jax.jit(kernel)(*tuple(_d.values())))

</pallas_src>

<mosaic_0001>
#map = affine_map<(d0, d1) -> (0, 0)>
#map1 = affine_map<(d0, d1) -> (0, 0, 0)>
module attributes {stable_mosaic.version = 14 : i64} {
  func.func @run(%arg0: i32, %arg1: i32, %arg2: memref<10000x128xf32, #tpu.memory_space<hbm>>, %arg3: memref<2x320000xi32, #tpu.memory_space<hbm>>, %arg4: memref<2x10240x128xf32, #tpu.memory_space<hbm>>, %arg5: memref<4x2x128xi32, #tpu.memory_space<vmem>>, %arg6: memref<2x128x128xf32, #tpu.memory_space<vmem>>, %arg7: memref<10240x128xf32, #tpu.memory_space<vmem_shared>>, %arg8: memref<!tpu.dma_semaphore, #tpu.memory_space<semaphore_mem>>, %arg9: memref<!tpu.dma_semaphore, #tpu.memory_space<semaphore_mem>>, %arg10: memref<!tpu.dma_semaphore, #tpu.memory_space<semaphore_mem>>, %arg11: memref<!tpu.dma_semaphore, #tpu.memory_space<semaphore_mem>>, %arg12: memref<!tpu.dma_semaphore, #tpu.memory_space<semaphore_mem>>, %arg13: memref<!tpu.dma_semaphore, #tpu.memory_space<semaphore_mem>>) attributes {dimension_semantics = [#tpu.dimension_semantics<core_parallel>, #tpu.dimension_semantics<subcore_parallel>], iteration_bounds = array<i64: 2, 16>, scalar_prefetch = 0 : i64, scratch_operands = 9 : i64, tpu.core_type = #tpu.core_type<sc_vector_subcore>, window_params = [{transform_indices = #map}, {transform_indices = #map}, {transform_indices = #map1}]} {
    %mul3A = arith.constant 2 : i32
    %mul3A_0 = arith.muli %arg1, %mul3A : i32
    %add3A = arith.addi %mul3A_0, %arg0 : i32
    %broadcast_in_dim3A = arith.constant 0.000000e+00 : f32
    %broadcast_in_dim3A_1 = vector.broadcast %broadcast_in_dim3A : f32 to vector<16xf32>
    %scan3A = arith.constant 0 : i32
    %scan3A_2 = arith.constant 0 : i32
    %scan3A_3 = arith.constant 128 : i32
    %scan3A_4 = arith.addi %scan3A_2, %scan3A_3 : i32
    %scan3A_5 = arith.constant 1 : i32
    %scan3A_6 = scf.for %scan3A_309 = %scan3A_2 to %scan3A_4 step %scan3A_5 iter_args(%scan3A_310 = %scan3A) -> (i32)  : i32 {
      %swap3A = arith.constant 0 : i32
      %swap3A_311 = arith.index_cast %swap3A : i32 to index
      %swap3A_312 = arith.index_cast %scan3A_309 : i32 to index
      %swap3A_313 = arith.constant 0 : index
      %swap3A_314 = tpu.vector_load %arg6[%swap3A_311, %swap3A_312, %swap3A_313] {strides = array<i32>} : memref<2x128x128xf32, #tpu.memory_space<vmem>>, vector<1x1x16xf32>,
      %swap3A_315 = vector.shape_cast %swap3A_314 : vector<1x1x16xf32> to vector<16xf32>
      %swap3A_316 = vector.shape_cast %broadcast_in_dim3A_1 : vector<16xf32> to vector<1x1x16xf32>
      tpu.vector_store %arg6[%swap3A_311, %swap3A_312, %swap3A_313], %swap3A_316 {strides = array<i32>} : memref<2x128x128xf32, #tpu.memory_space<vmem>>, vector<1x1x16xf32>,
      %swap3A_317 = arith.constant 0 : i32
      %swap3A_318 = arith.index_cast %swap3A_317 : i32 to index
      %swap3A_319 = arith.index_cast %scan3A_309 : i32 to index
      %swap3A_320 = arith.constant 16 : index
      %swap3A_321 = tpu.vector_load %arg6[%swap3A_318, %swap3A_319, %swap3A_320] {strides = array<i32>} : memref<2x128x128xf32, #tpu.memory_space<vmem>>, vector<1x1x16xf32>,
      %swap3A_322 = vector.shape_cast %swap3A_321 : vector<1x1x16xf32> to vector<16xf32>
      %swap3A_323 = vector.shape_cast %broadcast_in_dim3A_1 : vector<16xf32> to vector<1x1x16xf32>
      tpu.vector_store %arg6[%swap3A_318, %swap3A_319, %swap3A_320], %swap3A_323 {strides = array<i32>} : memref<2x128x128xf32, #tpu.memory_space<vmem>>, vector<1x1x16xf32>,
      %swap3A_324 = arith.constant 0 : i32
      %swap3A_325 = arith.index_cast %swap3A_324 : i32 to index
      %swap3A_326 = arith.index_cast %scan3A_309 : i32 to index
      %swap3A_327 = arith.constant 32 : index
      %swap3A_328 = tpu.vector_load %arg6[%swap3A_325, %swap3A_326, %swap3A_327] {strides = array<i32>} : memref<2x128x128xf32, #tpu.memory_space<vmem>>, vector<1x1x16xf32>,
      %swap3A_329 = vector.shape_cast %swap3A_328 : vector<1x1x16xf32> to vector<16xf32>
      %swap3A_330 = vector.shape_cast %broadcast_in_dim3A_1 : vector<16xf32> to vector<1x1x16xf32>
      tpu.vector_store %arg6[%swap3A_325, %swap3A_326, %swap3A_327], %swap3A_330 {strides = array<i32>} : memref<2x128x128xf32, #tpu.memory_space<vmem>>, vector<1x1x16xf32>,
      %swap3A_331 = arith.constant 0 : i32
      %swap3A_332 = arith.index_cast %swap3A_331 : i32 to index
      %swap3A_333 = arith.index_cast %scan3A_309 : i32 to index
      %swap3A_334 = arith.constant 48 : index
      %swap3A_335 = tpu.vector_load %arg6[%swap3A_332, %swap3A_333, %swap3A_334] {strides = array<i32>} : memref<2x128x128xf32, #tpu.memory_space<vmem>>, vector<1x1x16xf32>,
      %swap3A_336 = vector.shape_cast %swap3A_335 : vector<1x1x16xf32> to vector<16xf32>
      %swap3A_337 = vector.shape_cast %broadcast_in_dim3A_1 : vector<16xf32> to vector<1x1x16xf32>
      tpu.vector_store %arg6[%swap3A_332, %swap3A_333, %swap3A_334], %swap3A_337 {strides = array<i32>} : memref<2x128x128xf32, #tpu.memory_space<vmem>>, vector<1x1x16xf32>,
      %swap3A_338 = arith.constant 0 : i32
      %swap3A_339 = arith.index_cast %swap3A_338 : i32 to index
      %swap3A_340 = arith.index_cast %scan3A_309 : i32 to index
      %swap3A_341 = arith.constant 64 : index
      %swap3A_342 = tpu.vector_load %arg6[%swap3A_339, %swap3A_340, %swap3A_341] {strides = array<i32>} : memref<2x128x128xf32, #tpu.memory_space<vmem>>, vector<1x1x16xf32>,
      %swap3A_343 = vector.shape_cast %swap3A_342 : vector<1x1x16xf32> to vector<16xf32>
      %swap3A_344 = vector.shape_cast %broadcast_in_dim3A_1 : vector<16xf32> to vector<1x1x16xf32>
      tpu.vector_store %arg6[%swap3A_339, %swap3A_340, %swap3A_341], %swap3A_344 {strides = array<i32>} : memref<2x128x128xf32, #tpu.memory_space<vmem>>, vector<1x1x16xf32>,
      %swap3A_345 = arith.constant 0 : i32
      %swap3A_346 = arith.index_cast %swap3A_345 : i32 to index
      %swap3A_347 = arith.index_cast %scan3A_309 : i32 to index
      %swap3A_348 = arith.constant 80 : index
      %swap3A_349 = tpu.vector_load %arg6[%swap3A_346, %swap3A_347, %swap3A_348] {strides = array<i32>} : memref<2x128x128xf32, #tpu.memory_space<vmem>>, vector<1x1x16xf32>,
      %swap3A_350 = vector.shape_cast %swap3A_349 : vector<1x1x16xf32> to vector<16xf32>
      %swap3A_351 = vector.shape_cast %broadcast_in_dim3A_1 : vector<16xf32> to vector<1x1x16xf32>
      tpu.vector_store %arg6[%swap3A_346, %swap3A_347, %swap3A_348], %swap3A_351 {strides = array<i32>} : memref<2x128x128xf32, #tpu.memory_space<vmem>>, vector<1x1x16xf32>,
      %swap3A_352 = arith.constant 0 : i32
      %swap3A_353 = arith.index_cast %swap3A_352 : i32 to index
      %swap3A_354 = arith.index_cast %scan3A_309 : i32 to index
      %swap3A_355 = arith.constant 96 : index
      %swap3A_356 = tpu.vector_load %arg6[%swap3A_353, %swap3A_354, %swap3A_355] {strides = array<i32>} : memref<2x128x128xf32, #tpu.memory_space<vmem>>, vector<1x1x16xf32>,
      %swap3A_357 = vector.shape_cast %swap3A_356 : vector<1x1x16xf32> to vector<16xf32>
      %swap3A_358 = vector.shape_cast %broadcast_in_dim3A_1 : vector<16xf32> to vector<1x1x16xf32>
      tpu.vector_store %arg6[%swap3A_353, %swap3A_354, %swap3A_355], %swap3A_358 {strides = array<i32>} : memref<2x128x128xf32, #tpu.memory_space<vmem>>, vector<1x1x16xf32>,
      %swap3A_359 = arith.constant 0 : i32
      %swap3A_360 = arith.index_cast %swap3A_359 : i32 to index
      %swap3A_361 = arith.index_cast %scan3A_309 : i32 to index
      %swap3A_362 = arith.constant 112 : index
      %swap3A_363 = tpu.vector_load %arg6[%swap3A_360, %swap3A_361, %swap3A_362] {strides = array<i32>} : memref<2x128x128xf32, #tpu.memory_space<vmem>>, vector<1x1x16xf32>,
      %swap3A_364 = vector.shape_cast %swap3A_363 : vector<1x1x16xf32> to vector<16xf32>
      %swap3A_365 = vector.shape_cast %broadcast_in_dim3A_1 : vector<16xf32> to vector<1x1x16xf32>
      tpu.vector_store %arg6[%swap3A_360, %swap3A_361, %swap3A_362], %swap3A_365 {strides = array<i32>} : memref<2x128x128xf32, #tpu.memory_space<vmem>>, vector<1x1x16xf32>,
      %scan3A_366 = arith.constant 0 : i32
      scf.yield %scan3A_366 : i32
    }
    %scan3A_7 = arith.constant 128 : i32
    %scan3A_8 = arith.constant 0 : i32
    %scan3A_9 = arith.constant 0 : i32
    %scan3A_10 = arith.constant 5 : i32
    %scan3A_11 = arith.addi %scan3A_9, %scan3A_10 : i32
    %scan3A_12 = arith.constant 1 : i32
    %scan3A_13 = scf.for %scan3A_309 = %scan3A_9 to %scan3A_11 step %scan3A_12 iter_args(%scan3A_310 = %scan3A_8) -> (i32)  : i32 {
      %mul3A_311 = arith.constant 640 : i32
      %mul3A_312 = arith.muli %arg1, %mul3A_311 : i32
      %mul3A_313 = arith.constant 128 : i32
      %mul3A_314 = arith.muli %scan3A_309, %mul3A_313 : i32
      %add3A_315 = arith.addi %mul3A_312, %mul3A_314 : i32
      %run_scoped3A_316 = arith.constant 0 : i32
      "tpu.region"() ({
        %run_scoped3A_318 = tpu.sem_alloc : memref<!tpu.dma_semaphore, #tpu.memory_space<semaphore_mem>>
        %dma_start3A_319 = arith.constant 0 : i32
        %dma_start3A_320 = arith.constant 0 : i32
        %dma_start3A_321 = tpu.memref_slice %arg6[%run_scoped3A_316, %dma_start3A_319, %dma_start3A_320] : memref<2x128x128xf32, #tpu.memory_space<vmem>> -> memref<1x128x128xf32, #tpu.memory_space<vmem>>
        %dma_start3A_322 = tpu.memref_squeeze %dma_start3A_321 : memref<1x128x128xf32, #tpu.memory_space<vmem>> -> memref<128x128xf32, #tpu.memory_space<vmem>>
        %dma_start3A_323 = arith.constant 0 : i32
        %dma_start3A_324 = tpu.memref_slice %arg7[%add3A_315, %dma_start3A_323] : memref<10240x128xf32, #tpu.memory_space<vmem_shared>> -> memref<128x128xf32, #tpu.memory_space<vmem_shared>>
        %dma_start3A_325 = arith.constant 0 : i32
        %dma_start3A_326 = tpu.memref_slice %arg7[%add3A_315, %dma_start3A_325] : memref<10240x128xf32, #tpu.memory_space<vmem_shared>> -> memref<128x128xf32, #tpu.memory_space<vmem_shared>>
        %dma_start3A_327 = arith.constant 0 : i32
        %dma_start3A_328 = arith.constant 0 : i32
        %dma_start3A_329 = tpu.memref_slice %arg6[%run_scoped3A_316, %dma_start3A_327, %dma_start3A_328] : memref<2x128x128xf32, #tpu.memory_space<vmem>> -> memref<1x128x128xf32, #tpu.memory_space<vmem>>
        %dma_start3A_330 = tpu.memref_squeeze %dma_start3A_329 : memref<1x128x128xf32, #tpu.memory_space<vmem>> -> memref<128x128xf32, #tpu.memory_space<vmem>>
        tpu.enqueue_dma source(%dma_start3A_330 : memref<128x128xf32, #tpu.memory_space<vmem>>) target(%dma_start3A_326 : memref<128x128xf32, #tpu.memory_space<vmem_shared>>) target_semaphore(%run_scoped3A_318 : memref<!tpu.dma_semaphore, #tpu.memory_space<semaphore_mem>>)
        %dma_wait3A_331 = arith.constant 0 : i32
        %dma_wait3A_332 = arith.constant 0 : i32
        %dma_wait3A_333 = tpu.memref_slice %arg6[%run_scoped3A_316, %dma_wait3A_331, %dma_wait3A_332] : memref<2x128x128xf32, #tpu.memory_space<vmem>> -> memref<1x128x128xf32, #tpu.memory_space<vmem>>
        %dma_wait3A_334 = tpu.memref_squeeze %dma_wait3A_333 : memref<1x128x128xf32, #tpu.memory_space<vmem>> -> memref<128x128xf32, #tpu.memory_space<vmem>>
        %dma_wait3A_335 = arith.constant 0 : i32
        %dma_wait3A_336 = tpu.memref_slice %arg7[%add3A_315, %dma_wait3A_335] : memref<10240x128xf32, #tpu.memory_space<vmem_shared>> -> memref<128x128xf32, #tpu.memory_space<vmem_shared>>
        %dma_wait3A_337 = arith.constant 0 : i32
        %dma_wait3A_338 = tpu.memref_slice %arg7[%add3A_315, %dma_wait3A_337] : memref<10240x128xf32, #tpu.memory_space<vmem_shared>> -> memref<128x128xf32, #tpu.memory_space<vmem_shared>>
        %dma_wait3A_339 = arith.constant 0 : i32
        %dma_wait3A_340 = arith.constant 0 : i32
        %dma_wait3A_341 = tpu.memref_slice %arg6[%run_scoped3A_316, %dma_wait3A_339, %dma_wait3A_340] : memref<2x128x128xf32, #tpu.memory_space<vmem>> -> memref<1x128x128xf32, #tpu.memory_space<vmem>>
        %dma_wait3A_342 = tpu.memref_squeeze %dma_wait3A_341 : memref<1x128x128xf32, #tpu.memory_space<vmem>> -> memref<128x128xf32, #tpu.memory_space<vmem>>
        tpu.wait_dma2 semaphore(%run_scoped3A_318 : memref<!tpu.dma_semaphore, #tpu.memory_space<semaphore_mem>>) src(%dma_wait3A_342 : memref<128x128xf32, #tpu.memory_space<vmem>>) dst(%dma_wait3A_338 : memref<128x128xf32, #tpu.memory_space<vmem_shared>>)
        tpu.yield
      }) : () -> ()
      %scan3A_317 = arith.constant 0 : i32
      scf.yield %scan3A_317 : i32
    }
    %scan3A_14 = arith.constant 5 : i32
    %barrier3A = arith.constant 0 : index
    tpu.barrier barrier_id(%barrier3A)
    %add3A_15 = arith.constant 0 : i32
    %add3A_16 = arith.addi %add3A, %add3A_15 : i32
    %mul3A_17 = arith.constant 128 : i32
    %mul3A_18 = arith.muli %add3A_16, %mul3A_17 : i32
    %dma_start3A = arith.constant 0 : i32
    %dma_start3A_19 = arith.constant 0 : i32
    %dma_start3A_20 = arith.constant 0 : i32
    %dma_start3A_21 = arith.constant 0 : i32
    %dma_start3A_22 = tpu.memref_slice %arg5[%dma_start3A_19, %dma_start3A_20, %dma_start3A_21] : memref<4x2x128xi32, #tpu.memory_space<vmem>> -> memref<1x1x128xi32, #tpu.memory_space<vmem>>
    %dma_start3A_23 = tpu.memref_squeeze %dma_start3A_22 : memref<1x1x128xi32, #tpu.memory_space<vmem>> -> memref<128xi32, #tpu.memory_space<vmem>>
    %dma_start3A_24 = tpu.memref_slice %arg3[%dma_start3A, %mul3A_18] : memref<2x320000xi32, #tpu.memory_space<hbm>> -> memref<1x128xi32, #tpu.memory_space<hbm>>
    %dma_start3A_25 = tpu.memref_squeeze %dma_start3A_24 : memref<1x128xi32, #tpu.memory_space<hbm>> -> memref<128xi32, #tpu.memory_space<hbm>>
    %dma_start3A_26 = arith.constant 0 : i32
    %dma_start3A_27 = tpu.memref_slice %arg5[%dma_start3A_19, %dma_start3A_20, %dma_start3A_26] : memref<4x2x128xi32, #tpu.memory_space<vmem>> -> memref<1x1x128xi32, #tpu.memory_space<vmem>>
    %dma_start3A_28 = tpu.memref_squeeze %dma_start3A_27 : memref<1x1x128xi32, #tpu.memory_space<vmem>> -> memref<128xi32, #tpu.memory_space<vmem>>
    %dma_start3A_29 = tpu.memref_slice %arg3[%dma_start3A, %mul3A_18] : memref<2x320000xi32, #tpu.memory_space<hbm>> -> memref<1x128xi32, #tpu.memory_space<hbm>>
    %dma_start3A_30 = tpu.memref_squeeze %dma_start3A_29 : memref<1x128xi32, #tpu.memory_space<hbm>> -> memref<128xi32, #tpu.memory_space<hbm>>
    tpu.enqueue_dma source(%dma_start3A_30 : memref<128xi32, #tpu.memory_space<hbm>>) target(%dma_start3A_28 : memref<128xi32, #tpu.memory_space<vmem>>) target_semaphore(%arg8 : memref<!tpu.dma_semaphore, #tpu.memory_space<semaphore_mem>>)
    %add3A_31 = arith.constant 0 : i32
    %add3A_32 = arith.addi %add3A, %add3A_31 : i32
    %mul3A_33 = arith.constant 128 : i32
    %mul3A_34 = arith.muli %add3A_32, %mul3A_33 : i32
    %dma_start3A_35 = arith.constant 1 : i32
    %dma_start3A_36 = arith.constant 0 : i32
    %dma_start3A_37 = arith.constant 1 : i32
    %dma_start3A_38 = arith.constant 0 : i32
    %dma_start3A_39 = tpu.memref_slice %arg5[%dma_start3A_36, %dma_start3A_37, %dma_start3A_38] : memref<4x2x128xi32, #tpu.memory_space<vmem>> -> memref<1x1x128xi32, #tpu.memory_space<vmem>>
    %dma_start3A_40 = tpu.memref_squeeze %dma_start3A_39 : memref<1x1x128xi32, #tpu.memory_space<vmem>> -> memref<128xi32, #tpu.memory_space<vmem>>
    %dma_start3A_41 = tpu.memref_slice %arg3[%dma_start3A_35, %mul3A_34] : memref<2x320000xi32, #tpu.memory_space<hbm>> -> memref<1x128xi32, #tpu.memory_space<hbm>>
    %dma_start3A_42 = tpu.memref_squeeze %dma_start3A_41 : memref<1x128xi32, #tpu.memory_space<hbm>> -> memref<128xi32, #tpu.memory_space<hbm>>
    %dma_start3A_43 = arith.constant 0 : i32
    %dma_start3A_44 = tpu.memref_slice %arg5[%dma_start3A_36, %dma_start3A_37, %dma_start3A_43] : memref<4x2x128xi32, #tpu.memory_space<vmem>> -> memref<1x1x128xi32, #tpu.memory_space<vmem>>
    %dma_start3A_45 = tpu.memref_squeeze %dma_start3A_44 : memref<1x1x128xi32, #tpu.memory_space<vmem>> -> memref<128xi32, #tpu.memory_space<vmem>>
    %dma_start3A_46 = tpu.memref_slice %arg3[%dma_start3A_35, %mul3A_34] : memref<2x320000xi32, #tpu.memory_space<hbm>> -> memref<1x128xi32, #tpu.memory_space<hbm>>
    %dma_start3A_47 = tpu.memref_squeeze %dma_start3A_46 : memref<1x128xi32, #tpu.memory_space<hbm>> -> memref<128xi32, #tpu.memory_space<hbm>>
    tpu.enqueue_dma source(%dma_start3A_47 : memref<128xi32, #tpu.memory_space<hbm>>) target(%dma_start3A_45 : memref<128xi32, #tpu.memory_space<vmem>>) target_semaphore(%arg8 : memref<!tpu.dma_semaphore, #tpu.memory_space<semaphore_mem>>)
    %add3A_48 = arith.constant 32 : i32
    %add3A_49 = arith.addi %add3A, %add3A_48 : i32
    %mul3A_50 = arith.constant 128 : i32
    %mul3A_51 = arith.muli %add3A_49, %mul3A_50 : i32
    %dma_start3A_52 = arith.constant 0 : i32
    %dma_start3A_53 = arith.constant 1 : i32
    %dma_start3A_54 = arith.constant 0 : i32
    %dma_start3A_55 = arith.constant 0 : i32
    %dma_start3A_56 = tpu.memref_slice %arg5[%dma_start3A_53, %dma_start3A_54, %dma_start3A_55] : memref<4x2x128xi32, #tpu.memory_space<vmem>> -> memref<1x1x128xi32, #tpu.memory_space<vmem>>
    %dma_start3A_57 = tpu.memref_squeeze %dma_start3A_56 : memref<1x1x128xi32, #tpu.memory_space<vmem>> -> memref<128xi32, #tpu.memory_space<vmem>>
    %dma_start3A_58 = tpu.memref_slice %arg3[%dma_start3A_52, %mul3A_51] : memref<2x320000xi32, #tpu.memory_space<hbm>> -> memref<1x128xi32, #tpu.memory_space<hbm>>
    %dma_start3A_59 = tpu.memref_squeeze %dma_start3A_58 : memref<1x128xi32, #tpu.memory_space<hbm>> -> memref<128xi32, #tpu.memory_space<hbm>>
    %dma_start3A_60 = arith.constant 0 : i32
    %dma_start3A_61 = tpu.memref_slice %arg5[%dma_start3A_53, %dma_start3A_54, %dma_start3A_60] : memref<4x2x128xi32, #tpu.memory_space<vmem>> -> memref<1x1x128xi32, #tpu.memory_space<vmem>>
    %dma_start3A_62 = tpu.memref_squeeze %dma_start3A_61 : memref<1x1x128xi32, #tpu.memory_space<vmem>> -> memref<128xi32, #tpu.memory_space<vmem>>
    %dma_start3A_63 = tpu.memref_slice %arg3[%dma_start3A_52, %mul3A_51] : memref<2x320000xi32, #tpu.memory_space<hbm>> -> memref<1x128xi32, #tpu.memory_space<hbm>>
    %dma_start3A_64 = tpu.memref_squeeze %dma_start3A_63 : memref<1x128xi32, #tpu.memory_space<hbm>> -> memref<128xi32, #tpu.memory_space<hbm>>
    tpu.enqueue_dma source(%dma_start3A_64 : memref<128xi32, #tpu.memory_space<hbm>>) target(%dma_start3A_62 : memref<128xi32, #tpu.memory_space<vmem>>) target_semaphore(%arg9 : memref<!tpu.dma_semaphore, #tpu.memory_space<semaphore_mem>>)
    %add3A_65 = arith.constant 32 : i32
    %add3A_66 = arith.addi %add3A, %add3A_65 : i32
    %mul3A_67 = arith.constant 128 : i32
    %mul3A_68 = arith.muli %add3A_66, %mul3A_67 : i32
    %dma_start3A_69 = arith.constant 1 : i32
    %dma_start3A_70 = arith.constant 1 : i32
    %dma_start3A_71 = arith.constant 1 : i32
    %dma_start3A_72 = arith.constant 0 : i32
    %dma_start3A_73 = tpu.memref_slice %arg5[%dma_start3A_70, %dma_start3A_71, %dma_start3A_72] : memref<4x2x128xi32, #tpu.memory_space<vmem>> -> memref<1x1x128xi32, #tpu.memory_space<vmem>>
    %dma_start3A_74 = tpu.memref_squeeze %dma_start3A_73 : memref<1x1x128xi32, #tpu.memory_space<vmem>> -> memref<128xi32, #tpu.memory_space<vmem>>
    %dma_start3A_75 = tpu.memref_slice %arg3[%dma_start3A_69, %mul3A_68] : memref<2x320000xi32, #tpu.memory_space<hbm>> -> memref<1x128xi32, #tpu.memory_space<hbm>>
    %dma_start3A_76 = tpu.memref_squeeze %dma_start3A_75 : memref<1x128xi32, #tpu.memory_space<hbm>> -> memref<128xi32, #tpu.memory_space<hbm>>
    %dma_start3A_77 = arith.constant 0 : i32
    %dma_start3A_78 = tpu.memref_slice %arg5[%dma_start3A_70, %dma_start3A_71, %dma_start3A_77] : memref<4x2x128xi32, #tpu.memory_space<vmem>> -> memref<1x1x128xi32, #tpu.memory_space<vmem>>
    %dma_start3A_79 = tpu.memref_squeeze %dma_start3A_78 : memref<1x1x128xi32, #tpu.memory_space<vmem>> -> memref<128xi32, #tpu.memory_space<vmem>>
    %dma_start3A_80 = tpu.memref_slice %arg3[%dma_start3A_69, %mul3A_68] : memref<2x320000xi32, #tpu.memory_space<hbm>> -> memref<1x128xi32, #tpu.memory_space<hbm>>
    %dma_start3A_81 = tpu.memref_squeeze %dma_start3A_80 : memref<1x128xi32, #tpu.memory_space<hbm>> -> memref<128xi32, #tpu.memory_space<hbm>>
    tpu.enqueue_dma source(%dma_start3A_81 : memref<128xi32, #tpu.memory_space<hbm>>) target(%dma_start3A_79 : memref<128xi32, #tpu.memory_space<vmem>>) target_semaphore(%arg9 : memref<!tpu.dma_semaphore, #tpu.memory_space<semaphore_mem>>)
    %add3A_82 = arith.constant 0 : i32
    %add3A_83 = arith.addi %add3A, %add3A_82 : i32
    %mul3A_84 = arith.constant 128 : i32
    %mul3A_85 = arith.muli %add3A_83, %mul3A_84 : i32
    %dma_wait3A = arith.constant 0 : i32
    %dma_wait3A_86 = arith.constant 0 : i32
    %dma_wait3A_87 = arith.constant 0 : i32
    %dma_wait3A_88 = arith.constant 0 : i32
    %dma_wait3A_89 = tpu.memref_slice %arg5[%dma_wait3A_86, %dma_wait3A_87, %dma_wait3A_88] : memref<4x2x128xi32, #tpu.memory_space<vmem>> -> memref<1x1x128xi32, #tpu.memory_space<vmem>>
    %dma_wait3A_90 = tpu.memref_squeeze %dma_wait3A_89 : memref<1x1x128xi32, #tpu.memory_space<vmem>> -> memref<128xi32, #tpu.memory_space<vmem>>
    %dma_wait3A_91 = tpu.memref_slice %arg3[%dma_wait3A, %mul3A_85] : memref<2x320000xi32, #tpu.memory_space<hbm>> -> memref<1x128xi32, #tpu.memory_space<hbm>>
    %dma_wait3A_92 = tpu.memref_squeeze %dma_wait3A_91 : memref<1x128xi32, #tpu.memory_space<hbm>> -> memref<128xi32, #tpu.memory_space<hbm>>
    %dma_wait3A_93 = arith.constant 0 : i32
    %dma_wait3A_94 = tpu.memref_slice %arg5[%dma_wait3A_86, %dma_wait3A_87, %dma_wait3A_93] : memref<4x2x128xi32, #tpu.memory_space<vmem>> -> memref<1x1x128xi32, #tpu.memory_space<vmem>>
    %dma_wait3A_95 = tpu.memref_squeeze %dma_wait3A_94 : memref<1x1x128xi32, #tpu.memory_space<vmem>> -> memref<128xi32, #tpu.memory_space<vmem>>
    %dma_wait3A_96 = tpu.memref_slice %arg3[%dma_wait3A, %mul3A_85] : memref<2x320000xi32, #tpu.memory_space<hbm>> -> memref<1x128xi32, #tpu.memory_space<hbm>>
    %dma_wait3A_97 = tpu.memref_squeeze %dma_wait3A_96 : memref<1x128xi32, #tpu.memory_space<hbm>> -> memref<128xi32, #tpu.memory_space<hbm>>
    tpu.wait_dma2 semaphore(%arg8 : memref<!tpu.dma_semaphore, #tpu.memory_space<semaphore_mem>>) src(%dma_wait3A_97 : memref<128xi32, #tpu.memory_space<hbm>>) dst(%dma_wait3A_95 : memref<128xi32, #tpu.memory_space<vmem>>)
    %add3A_98 = arith.constant 0 : i32
    %add3A_99 = arith.addi %add3A, %add3A_98 : i32
    %mul3A_100 = arith.constant 128 : i32
    %mul3A_101 = arith.muli %add3A_99, %mul3A_100 : i32
    %dma_wait3A_102 = arith.constant 1 : i32
    %dma_wait3A_103 = arith.constant 0 : i32
    %dma_wait3A_104 = arith.constant 1 : i32
    %dma_wait3A_105 = arith.constant 0 : i32
    %dma_wait3A_106 = tpu.memref_slice %arg5[%dma_wait3A_103, %dma_wait3A_104, %dma_wait3A_105] : memref<4x2x128xi32, #tpu.memory_space<vmem>> -> memref<1x1x128xi32, #tpu.memory_space<vmem>>
    %dma_wait3A_107 = tpu.memref_squeeze %dma_wait3A_106 : memref<1x1x128xi32, #tpu.memory_space<vmem>> -> memref<128xi32, #tpu.memory_space<vmem>>
    %dma_wait3A_108 = tpu.memref_slice %arg3[%dma_wait3A_102, %mul3A_101] : memref<2x320000xi32, #tpu.memory_space<hbm>> -> memref<1x128xi32, #tpu.memory_space<hbm>>
    %dma_wait3A_109 = tpu.memref_squeeze %dma_wait3A_108 : memref<1x128xi32, #tpu.memory_space<hbm>> -> memref<128xi32, #tpu.memory_space<hbm>>
    %dma_wait3A_110 = arith.constant 0 : i32
    %dma_wait3A_111 = tpu.memref_slice %arg5[%dma_wait3A_103, %dma_wait3A_104, %dma_wait3A_110] : memref<4x2x128xi32, #tpu.memory_space<vmem>> -> memref<1x1x128xi32, #tpu.memory_space<vmem>>
    %dma_wait3A_112 = tpu.memref_squeeze %dma_wait3A_111 : memref<1x1x128xi32, #tpu.memory_space<vmem>> -> memref<128xi32, #tpu.memory_space<vmem>>
    %dma_wait3A_113 = tpu.memref_slice %arg3[%dma_wait3A_102, %mul3A_101] : memref<2x320000xi32, #tpu.memory_space<hbm>> -> memref<1x128xi32, #tpu.memory_space<hbm>>
    %dma_wait3A_114 = tpu.memref_squeeze %dma_wait3A_113 : memref<1x128xi32, #tpu.memory_space<hbm>> -> memref<128xi32, #tpu.memory_space<hbm>>
    tpu.wait_dma2 semaphore(%arg8 : memref<!tpu.dma_semaphore, #tpu.memory_space<semaphore_mem>>) src(%dma_wait3A_114 : memref<128xi32, #tpu.memory_space<hbm>>) dst(%dma_wait3A_112 : memref<128xi32, #tpu.memory_space<vmem>>)
    %dma_start3A_115 = arith.constant 0 : i32
    %dma_start3A_116 = arith.constant 0 : i32
    %dma_start3A_117 = arith.constant 0 : i32
    %dma_start3A_118 = arith.constant 0 : i32
    %dma_start3A_119 = arith.constant 0 : i32
    %dma_start3A_120 = tpu.memref_slice %arg6[%dma_start3A_117, %dma_start3A_118, %dma_start3A_119] : memref<2x128x128xf32, #tpu.memory_space<vmem>> -> memref<1x128x128xf32, #tpu.memory_space<vmem>>
    %dma_start3A_121 = tpu.memref_squeeze %dma_start3A_120 : memref<1x128x128xf32, #tpu.memory_space<vmem>> -> memref<128x128xf32, #tpu.memory_space<vmem>>
    %dma_start3A_122 = arith.constant 0 : i32
    %dma_start3A_123 = tpu.memref_slice %arg5[%dma_start3A_115, %dma_start3A_116, %dma_start3A_122] : memref<4x2x128xi32, #tpu.memory_space<vmem>> -> memref<1x1x128xi32, #tpu.memory_space<vmem>>
    %dma_start3A_124 = tpu.memref_squeeze %dma_start3A_123 : memref<1x1x128xi32, #tpu.memory_space<vmem>> -> memref<128xi32, #tpu.memory_space<vmem>>
    %dma_start3A_125 = arith.constant 0 : i32
    %dma_start3A_126 = arith.constant 0 : i32
    %dma_start3A_127 = tpu.memref_slice %arg2[%dma_start3A_125, %dma_start3A_126] : memref<10000x128xf32, #tpu.memory_space<hbm>> -> memref<10000x128xf32, #tpu.memory_space<hbm>>
    tpu.enqueue_indirect_dma source(%dma_start3A_127 : memref<10000x128xf32, #tpu.memory_space<hbm>>) target(%dma_start3A_121 : memref<128x128xf32, #tpu.memory_space<vmem>>) offsets(%dma_start3A_124 : memref<128xi32, #tpu.memory_space<vmem>>) semaphore(%arg12 : memref<!tpu.dma_semaphore, #tpu.memory_space<semaphore_mem>>)
    %add3A_128 = arith.constant 64 : i32
    %add3A_129 = arith.addi %add3A, %add3A_128 : i32
    %mul3A_130 = arith.constant 128 : i32
    %mul3A_131 = arith.muli %add3A_129, %mul3A_130 : i32
    %dma_start3A_132 = arith.constant 0 : i32
    %dma_start3A_133 = arith.constant 2 : i32
    %dma_start3A_134 = arith.constant 0 : i32
    %dma_start3A_135 = arith.constant 0 : i32
    %dma_start3A_136 = tpu.memref_slice %arg5[%dma_start3A_133, %dma_start3A_134, %dma_start3A_135] : memref<4x2x128xi32, #tpu.memory_space<vmem>> -> memref<1x1x128xi32, #tpu.memory_space<vmem>>
    %dma_start3A_137 = tpu.memref_squeeze %dma_start3A_136 : memref<1x1x128xi32, #tpu.memory_space<vmem>> -> memref<128xi32, #tpu.memory_space<vmem>>
    %dma_start3A_138 = tpu.memref_slice %arg3[%dma_start3A_132, %mul3A_131] : memref<2x320000xi32, #tpu.memory_space<hbm>> -> memref<1x128xi32, #tpu.memory_space<hbm>>
    %dma_start3A_139 = tpu.memref_squeeze %dma_start3A_138 : memref<1x128xi32, #tpu.memory_space<hbm>> -> memref<128xi32, #tpu.memory_space<hbm>>
    %dma_start3A_140 = arith.constant 0 : i32
    %dma_start3A_141 = tpu.memref_slice %arg5[%dma_start3A_133, %dma_start3A_134, %dma_start3A_140] : memref<4x2x128xi32, #tpu.memory_space<vmem>> -> memref<1x1x128xi32, #tpu.memory_space<vmem>>
    %dma_start3A_142 = tpu.memref_squeeze %dma_start3A_141 : memref<1x1x128xi32, #tpu.memory_space<vmem>> -> memref<128xi32, #tpu.memory_space<vmem>>
    %dma_start3A_143 = tpu.memref_slice %arg3[%dma_start3A_132, %mul3A_131] : memref<2x320000xi32, #tpu.memory_space<hbm>> -> memref<1x128xi32, #tpu.memory_space<hbm>>
    %dma_start3A_144 = tpu.memref_squeeze %dma_start3A_143 : memref<1x128xi32, #tpu.memory_space<hbm>> -> memref<128xi32, #tpu.memory_space<hbm>>
    tpu.enqueue_dma source(%dma_start3A_144 : memref<128xi32, #tpu.memory_space<hbm>>) target(%dma_start3A_142 : memref<128xi32, #tpu.memory_space<vmem>>) target_semaphore(%arg10 : memref<!tpu.dma_semaphore, #tpu.memory_space<semaphore_mem>>)
    %add3A_145 = arith.constant 64 : i32
    %add3A_146 = arith.addi %add3A, %add3A_145 : i32
    %mul3A_147 = arith.constant 128 : i32
    %mul3A_148 = arith.muli %add3A_146, %mul3A_147 : i32
    %dma_start3A_149 = arith.constant 1 : i32
    %dma_start3A_150 = arith.constant 2 : i32
    %dma_start3A_151 = arith.constant 1 : i32
    %dma_start3A_152 = arith.constant 0 : i32
    %dma_start3A_153 = tpu.memref_slice %arg5[%dma_start3A_150, %dma_start3A_151, %dma_start3A_152] : memref<4x2x128xi32, #tpu.memory_space<vmem>> -> memref<1x1x128xi32, #tpu.memory_space<vmem>>
    %dma_start3A_154 = tpu.memref_squeeze %dma_start3A_153 : memref<1x1x128xi32, #tpu.memory_space<vmem>> -> memref<128xi32, #tpu.memory_space<vmem>>
    %dma_start3A_155 = tpu.memref_slice %arg3[%dma_start3A_149, %mul3A_148] : memref<2x320000xi32, #tpu.memory_space<hbm>> -> memref<1x128xi32, #tpu.memory_space<hbm>>
    %dma_start3A_156 = tpu.memref_squeeze %dma_start3A_155 : memref<1x128xi32, #tpu.memory_space<hbm>> -> memref<128xi32, #tpu.memory_space<hbm>>
    %dma_start3A_157 = arith.constant 0 : i32
    %dma_start3A_158 = tpu.memref_slice %arg5[%dma_start3A_150, %dma_start3A_151, %dma_start3A_157] : memref<4x2x128xi32, #tpu.memory_space<vmem>> -> memref<1x1x128xi32, #tpu.memory_space<vmem>>
    %dma_start3A_159 = tpu.memref_squeeze %dma_start3A_158 : memref<1x1x128xi32, #tpu.memory_space<vmem>> -> memref<128xi32, #tpu.memory_space<vmem>>
    %dma_start3A_160 = tpu.memref_slice %arg3[%dma_start3A_149, %mul3A_148] : memref<2x320000xi32, #tpu.memory_space<hbm>> -> memref<1x128xi32, #tpu.memory_space<hbm>>
    %dma_start3A_161 = tpu.memref_squeeze %dma_start3A_160 : memref<1x128xi32, #tpu.memory_space<hbm>> -> memref<128xi32, #tpu.memory_space<hbm>>
    tpu.enqueue_dma source(%dma_start3A_161 : memref<128xi32, #tpu.memory_space<hbm>>) target(%dma_start3A_159 : memref<128xi32, #tpu.memory_space<vmem>>) target_semaphore(%arg10 : memref<!tpu.dma_semaphore, #tpu.memory_space<semaphore_mem>>)
    %add3A_162 = arith.constant 32 : i32
    %add3A_163 = arith.addi %add3A, %add3A_162 : i32
    %mul3A_164 = arith.constant 128 : i32
    %mul3A_165 = arith.muli %add3A_163, %mul3A_164 : i32
    %dma_wait3A_166 = arith.constant 0 : i32
    %dma_wait3A_167 = arith.constant 1 : i32
    %dma_wait3A_168 = arith.constant 0 : i32
    %dma_wait3A_169 = arith.constant 0 : i32
    %dma_wait3A_170 = tpu.memref_slice %arg5[%dma_wait3A_167, %dma_wait3A_168, %dma_wait3A_169] : memref<4x2x128xi32, #tpu.memory_space<vmem>> -> memref<1x1x128xi32, #tpu.memory_space<vmem>>
    %dma_wait3A_171 = tpu.memref_squeeze %dma_wait3A_170 : memref<1x1x128xi32, #tpu.memory_space<vmem>> -> memref<128xi32, #tpu.memory_space<vmem>>
    %dma_wait3A_172 = tpu.memref_slice %arg3[%dma_wait3A_166, %mul3A_165] : memref<2x320000xi32, #tpu.memory_space<hbm>> -> memref<1x128xi32, #tpu.memory_space<hbm>>
    %dma_wait3A_173 = tpu.memref_squeeze %dma_wait3A_172 : memref<1x128xi32, #tpu.memory_space<hbm>> -> memref<128xi32, #tpu.memory_space<hbm>>
    %dma_wait3A_174 = arith.constant 0 : i32
    %dma_wait3A_175 = tpu.memref_slice %arg5[%dma_wait3A_167, %dma_wait3A_168, %dma_wait3A_174] : memref<4x2x128xi32, #tpu.memory_space<vmem>> -> memref<1x1x128xi32, #tpu.memory_space<vmem>>
    %dma_wait3A_176 = tpu.memref_squeeze %dma_wait3A_175 : memref<1x1x128xi32, #tpu.memory_space<vmem>> -> memref<128xi32, #tpu.memory_space<vmem>>
    %dma_wait3A_177 = tpu.memref_slice %arg3[%dma_wait3A_166, %mul3A_165] : memref<2x320000xi32, #tpu.memory_space<hbm>> -> memref<1x128xi32, #tpu.memory_space<hbm>>
    %dma_wait3A_178 = tpu.memref_squeeze %dma_wait3A_177 : memref<1x128xi32, #tpu.memory_space<hbm>> -> memref<128xi32, #tpu.memory_space<hbm>>
    tpu.wait_dma2 semaphore(%arg9 : memref<!tpu.dma_semaphore, #tpu.memory_space<semaphore_mem>>) src(%dma_wait3A_178 : memref<128xi32, #tpu.memory_space<hbm>>) dst(%dma_wait3A_176 : memref<128xi32, #tpu.memory_space<vmem>>)
    %add3A_179 = arith.constant 32 : i32
    %add3A_180 = arith.addi %add3A, %add3A_179 : i32
    %mul3A_181 = arith.constant 128 : i32
    %mul3A_182 = arith.muli %add3A_180, %mul3A_181 : i32
    %dma_wait3A_183 = arith.constant 1 : i32
    %dma_wait3A_184 = arith.constant 1 : i32
    %dma_wait3A_185 = arith.constant 1 : i32
    %dma_wait3A_186 = arith.constant 0 : i32
    %dma_wait3A_187 = tpu.memref_slice %arg5[%dma_wait3A_184, %dma_wait3A_185, %dma_wait3A_186] : memref<4x2x128xi32, #tpu.memory_space<vmem>> -> memref<1x1x128xi32, #tpu.memory_space<vmem>>
    %dma_wait3A_188 = tpu.memref_squeeze %dma_wait3A_187 : memref<1x1x128xi32, #tpu.memory_space<vmem>> -> memref<128xi32, #tpu.memory_space<vmem>>
    %dma_wait3A_189 = tpu.memref_slice %arg3[%dma_wait3A_183, %mul3A_182] : memref<2x320000xi32, #tpu.memory_space<hbm>> -> memref<1x128xi32, #tpu.memory_space<hbm>>
    %dma_wait3A_190 = tpu.memref_squeeze %dma_wait3A_189 : memref<1x128xi32, #tpu.memory_space<hbm>> -> memref<128xi32, #tpu.memory_space<hbm>>
    %dma_wait3A_191 = arith.constant 0 : i32
    %dma_wait3A_192 = tpu.memref_slice %arg5[%dma_wait3A_184, %dma_wait3A_185, %dma_wait3A_191] : memref<4x2x128xi32, #tpu.memory_space<vmem>> -> memref<1x1x128xi32, #tpu.memory_space<vmem>>
    %dma_wait3A_193 = tpu.memref_squeeze %dma_wait3A_192 : memref<1x1x128xi32, #tpu.memory_space<vmem>> -> memref<128xi32, #tpu.memory_space<vmem>>
    %dma_wait3A_194 = tpu.memref_slice %arg3[%dma_wait3A_183, %mul3A_182] : memref<2x320000xi32, #tpu.memory_space<hbm>> -> memref<1x128xi32, #tpu.memory_space<hbm>>
    %dma_wait3A_195 = tpu.memref_squeeze %dma_wait3A_194 : memref<1x128xi32, #tpu.memory_space<hbm>> -> memref<128xi32, #tpu.memory_space<hbm>>
    tpu.wait_dma2 semaphore(%arg9 : memref<!tpu.dma_semaphore, #tpu.memory_space<semaphore_mem>>) src(%dma_wait3A_195 : memref<128xi32, #tpu.memory_space<hbm>>) dst(%dma_wait3A_193 : memref<128xi32, #tpu.memory_space<vmem>>)
    %dma_start3A_196 = arith.constant 1 : i32
    %dma_start3A_197 = arith.constant 0 : i32
    %dma_start3A_198 = arith.constant 1 : i32
    %dma_start3A_199 = arith.constant 0 : i32
    %dma_start3A_200 = arith.constant 0 : i32
    %dma_start3A_201 = tpu.memref_slice %arg6[%dma_start3A_198, %dma_start3A_199, %dma_start3A_200] : memref<2x128x128xf32, #tpu.memory_space<vmem>> -> memref<1x128x128xf32, #tpu.memory_space<vmem>>
    %dma_start3A_202 = tpu.memref_squeeze %dma_start3A_201 : memref<1x128x128xf32, #tpu.memory_space<vmem>> -> memref<128x128xf32, #tpu.memory_space<vmem>>
    %dma_start3A_203 = arith.constant 0 : i32
    %dma_start3A_204 = tpu.memref_slice %arg5[%dma_start3A_196, %dma_start3A_197, %dma_start3A_203] : memref<4x2x128xi32, #tpu.memory_space<vmem>> -> memref<1x1x128xi32, #tpu.memory_space<vmem>>
    %dma_start3A_205 = tpu.memref_squeeze %dma_start3A_204 : memref<1x1x128xi32, #tpu.memory_space<vmem>> -> memref<128xi32, #tpu.memory_space<vmem>>
    %dma_start3A_206 = arith.constant 0 : i32
    %dma_start3A_207 = arith.constant 0 : i32
    %dma_start3A_208 = tpu.memref_slice %arg2[%dma_start3A_206, %dma_start3A_207] : memref<10000x128xf32, #tpu.memory_space<hbm>> -> memref<10000x128xf32, #tpu.memory_space<hbm>>
    tpu.enqueue_indirect_dma source(%dma_start3A_208 : memref<10000x128xf32, #tpu.memory_space<hbm>>) target(%dma_start3A_202 : memref<128x128xf32, #tpu.memory_space<vmem>>) offsets(%dma_start3A_205 : memref<128xi32, #tpu.memory_space<vmem>>) semaphore(%arg13 : memref<!tpu.dma_semaphore, #tpu.memory_space<semaphore_mem>>)
    %add3A_209 = arith.constant 96 : i32
    %add3A_210 = arith.addi %add3A, %add3A_209 : i32
    %mul3A_211 = arith.constant 128 : i32
    %mul3A_212 = arith.muli %add3A_210, %mul3A_211 : i32
    %dma_start3A_213 = arith.constant 0 : i32
    %dma_start3A_214 = arith.constant 3 : i32
    %dma_start3A_215 = arith.constant 0 : i32
    %dma_start3A_216 = arith.constant 0 : i32
    %dma_start3A_217 = tpu.memref_slice %arg5[%dma_start3A_214, %dma_start3A_215, %dma_start3A_216] : memref<4x2x128xi32, #tpu.memory_space<vmem>> -> memref<1x1x128xi32, #tpu.memory_space<vmem>>
    %dma_start3A_218 = tpu.memref_squeeze %dma_start3A_217 : memref<1x1x128xi32, #tpu.memory_space<vmem>> -> memref<128xi32, #tpu.memory_space<vmem>>
    %dma_start3A_219 = tpu.memref_slice %arg3[%dma_start3A_213, %mul3A_212] : memref<2x320000xi32, #tpu.memory_space<hbm>> -> memref<1x128xi32, #tpu.memory_space<hbm>>
    %dma_start3A_220 = tpu.memref_squeeze %dma_start3A_219 : memref<1x128xi32, #tpu.memory_space<hbm>> -> memref<128xi32, #tpu.memory_space<hbm>>
    %dma_start3A_221 = arith.constant 0 : i32
    %dma_start3A_222 = tpu.memref_slice %arg5[%dma_start3A_214, %dma_start3A_215, %dma_start3A_221] : memref<4x2x128xi32, #tpu.memory_space<vmem>> -> memref<1x1x128xi32, #tpu.memory_space<vmem>>
    %dma_start3A_223 = tpu.memref_squeeze %dma_start3A_222 : memref<1x1x128xi32, #tpu.memory_space<vmem>> -> memref<128xi32, #tpu.memory_space<vmem>>
    %dma_start3A_224 = tpu.memref_slice %arg3[%dma_start3A_213, %mul3A_212] : memref<2x320000xi32, #tpu.memory_space<hbm>> -> memref<1x128xi32, #tpu.memory_space<hbm>>
    %dma_start3A_225 = tpu.memref_squeeze %dma_start3A_224 : memref<1x128xi32, #tpu.memory_space<hbm>> -> memref<128xi32, #tpu.memory_space<hbm>>
    tpu.enqueue_dma source(%dma_start3A_225 : memref<128xi32, #tpu.memory_space<hbm>>) target(%dma_start3A_223 : memref<128xi32, #tpu.memory_space<vmem>>) target_semaphore(%arg11 : memref<!tpu.dma_semaphore, #tpu.memory_space<semaphore_mem>>)
    %add3A_226 = arith.constant 96 : i32
    %add3A_227 = arith.addi %add3A, %add3A_226 : i32
    %mul3A_228 = arith.constant 128 : i32
    %mul3A_229 = arith.muli %add3A_227, %mul3A_228 : i32
    %dma_start3A_230 = arith.constant 1 : i32
    %dma_start3A_231 = arith.constant 3 : i32
    %dma_start3A_232 = arith.constant 1 : i32
    %dma_start3A_233 = arith.constant 0 : i32
    %dma_start3A_234 = tpu.memref_slice %arg5[%dma_start3A_231, %dma_start3A_232, %dma_start3A_233] : memref<4x2x128xi32, #tpu.memory_space<vmem>> -> memref<1x1x128xi32, #tpu.memory_space<vmem>>
    %dma_start3A_235 = tpu.memref_squeeze %dma_start3A_234 : memref<1x1x128xi32, #tpu.memory_space<vmem>> -> memref<128xi32, #tpu.memory_space<vmem>>
    %dma_start3A_236 = tpu.memref_slice %arg3[%dma_start3A_230, %mul3A_229] : memref<2x320000xi32, #tpu.memory_space<hbm>> -> memref<1x128xi32, #tpu.memory_space<hbm>>
    %dma_start3A_237 = tpu.memref_squeeze %dma_start3A_236 : memref<1x128xi32, #tpu.memory_space<hbm>> -> memref<128xi32, #tpu.memory_space<hbm>>
    %dma_start3A_238 = arith.constant 0 : i32
    %dma_start3A_239 = tpu.memref_slice %arg5[%dma_start3A_231, %dma_start3A_232, %dma_start3A_238] : memref<4x2x128xi32, #tpu.memory_space<vmem>> -> memref<1x1x128xi32, #tpu.memory_space<vmem>>
    %dma_start3A_240 = tpu.memref_squeeze %dma_start3A_239 : memref<1x1x128xi32, #tpu.memory_space<vmem>> -> memref<128xi32, #tpu.memory_space<vmem>>
    %dma_start3A_241 = tpu.memref_slice %arg3[%dma_start3A_230, %mul3A_229] : memref<2x320000xi32, #tpu.memory_space<hbm>> -> memref<1x128xi32, #tpu.memory_space<hbm>>
    %dma_start3A_242 = tpu.memref_squeeze %dma_start3A_241 : memref<1x128xi32, #tpu.memory_space<hbm>> -> memref<128xi32, #tpu.memory_space<hbm>>
    tpu.enqueue_dma source(%dma_start3A_242 : memref<128xi32, #tpu.memory_space<hbm>>) target(%dma_start3A_240 : memref<128xi32, #tpu.memory_space<vmem>>) target_semaphore(%arg11 : memref<!tpu.dma_semaphore, #tpu.memory_space<semaphore_mem>>)
    %scan3A_243 = arith.constant 0 : i32
    %scan3A_244 = arith.constant 0 : i32
    %scan3A_245 = arith.constant 19 : i32
    %scan3A_246 = arith.addi %scan3A_244, %scan3A_245 : i32
    %scan3A_247 = arith.constant 1 : i32
    %scan3A_248 = scf.for %scan3A_309 = %scan3A_244 to %scan3A_246 step %scan3A_247 iter_args(%scan3A_310 = %scan3A_243) -> (i32)  : i32 {
      %mul3A_311 = arith.constant 4 : i32
      %mul3A_312 = arith.muli %scan3A_309, %mul3A_311 : i32
      %add3A_313 = arith.constant 0 : i32
      %add3A_314 = arith.addi %mul3A_312, %add3A_313 : i32
      %dma_wait3A_315 = arith.constant 0 : i32
      %dma_wait3A_316 = arith.constant 0 : i32
      %dma_wait3A_317 = arith.constant 0 : i32
      %dma_wait3A_318 = arith.constant 0 : i32
      %dma_wait3A_319 = arith.constant 0 : i32
      %dma_wait3A_320 = tpu.memref_slice %arg6[%dma_wait3A_317, %dma_wait3A_318, %dma_wait3A_319] : memref<2x128x128xf32, #tpu.memory_space<vmem>> -> memref<1x128x128xf32, #tpu.memory_space<vmem>>
      %dma_wait3A_321 = tpu.memref_squeeze %dma_wait3A_320 : memref<1x128x128xf32, #tpu.memory_space<vmem>> -> memref<128x128xf32, #tpu.memory_space<vmem>>
      %dma_wait3A_322 = arith.constant 0 : i32
      %dma_wait3A_323 = tpu.memref_slice %arg5[%dma_wait3A_315, %dma_wait3A_316, %dma_wait3A_322] : memref<4x2x128xi32, #tpu.memory_space<vmem>> -> memref<1x1x128xi32, #tpu.memory_space<vmem>>
      %dma_wait3A_324 = tpu.memref_squeeze %dma_wait3A_323 : memref<1x1x128xi32, #tpu.memory_space<vmem>> -> memref<128xi32, #tpu.memory_space<vmem>>
      %dma_wait3A_325 = arith.constant 0 : i32
      %dma_wait3A_326 = arith.constant 0 : i32
      %dma_wait3A_327 = tpu.memref_slice %arg2[%dma_wait3A_325, %dma_wait3A_326] : memref<10000x128xf32, #tpu.memory_space<hbm>> -> memref<10000x128xf32, #tpu.memory_space<hbm>>
      tpu.wait_indirect_dma semaphore(%arg12 : memref<!tpu.dma_semaphore, #tpu.memory_space<semaphore_mem>>) src(%dma_wait3A_327 : memref<10000x128xf32, #tpu.memory_space<hbm>>) dst(%dma_wait3A_321 : memref<128x128xf32, #tpu.memory_space<vmem>>)
      %run_scoped3A_328 = arith.constant 0 : i32
      %run_scoped3A_329 = arith.constant 0 : i32
      %run_scoped3A_330 = arith.constant 1 : i32
      "tpu.region"() ({
        %run_scoped3A_630 = tpu.sem_alloc : memref<!tpu.dma_semaphore, #tpu.memory_space<semaphore_mem>>
        %dma_start3A_631 = arith.constant 0 : i32
        %dma_start3A_632 = arith.constant 0 : i32
        %dma_start3A_633 = tpu.memref_slice %arg6[%run_scoped3A_328, %dma_start3A_631, %dma_start3A_632] : memref<2x128x128xf32, #tpu.memory_space<vmem>> -> memref<1x128x128xf32, #tpu.memory_space<vmem>>
        %dma_start3A_634 = tpu.memref_squeeze %dma_start3A_633 : memref<1x128x128xf32, #tpu.memory_space<vmem>> -> memref<128x128xf32, #tpu.memory_space<vmem>>
        %dma_start3A_635 = arith.constant 0 : i32
        %dma_start3A_636 = tpu.memref_slice %arg5[%run_scoped3A_329, %run_scoped3A_330, %dma_start3A_635] : memref<4x2x128xi32, #tpu.memory_space<vmem>> -> memref<1x1x128xi32, #tpu.memory_space<vmem>>
        %dma_start3A_637 = tpu.memref_squeeze %dma_start3A_636 : memref<1x1x128xi32, #tpu.memory_space<vmem>> -> memref<128xi32, #tpu.memory_space<vmem>>
        %dma_start3A_638 = arith.constant 0 : i32
        %dma_start3A_639 = arith.constant 0 : i32
        %dma_start3A_640 = tpu.memref_slice %arg7[%dma_start3A_638, %dma_start3A_639] : memref<10240x128xf32, #tpu.memory_space<vmem_shared>> -> memref<10240x128xf32, #tpu.memory_space<vmem_shared>>
        tpu.enqueue_indirect_dma source(%dma_start3A_634 : memref<128x128xf32, #tpu.memory_space<vmem>>) target(%dma_start3A_640 : memref<10240x128xf32, #tpu.memory_space<vmem_shared>>) offsets(%dma_start3A_637 : memref<128xi32, #tpu.memory_space<vmem>>) semaphore(%run_scoped3A_630 : memref<!tpu.dma_semaphore, #tpu.memory_space<semaphore_mem>>) {add = true}
        %dma_wait3A_641 = arith.constant 0 : i32
        %dma_wait3A_642 = arith.constant 0 : i32
        %dma_wait3A_643 = tpu.memref_slice %arg6[%run_scoped3A_328, %dma_wait3A_641, %dma_wait3A_642] : memref<2x128x128xf32, #tpu.memory_space<vmem>> -> memref<1x128x128xf32, #tpu.memory_space<vmem>>
        %dma_wait3A_644 = tpu.memref_squeeze %dma_wait3A_643 : memref<1x128x128xf32, #tpu.memory_space<vmem>> -> memref<128x128xf32, #tpu.memory_space<vmem>>
        %dma_wait3A_645 = arith.constant 0 : i32
        %dma_wait3A_646 = tpu.memref_slice %arg5[%run_scoped3A_329, %run_scoped3A_330, %dma_wait3A_645] : memref<4x2x128xi32, #tpu.memory_space<vmem>> -> memref<1x1x128xi32, #tpu.memory_space<vmem>>
        %dma_wait3A_647 = tpu.memref_squeeze %dma_wait3A_646 : memref<1x1x128xi32, #tpu.memory_space<vmem>> -> memref<128xi32, #tpu.memory_space<vmem>>
        %dma_wait3A_648 = arith.constant 0 : i32
        %dma_wait3A_649 = arith.constant 0 : i32
        %dma_wait3A_650 = tpu.memref_slice %arg7[%dma_wait3A_648, %dma_wait3A_649] : memref<10240x128xf32, #tpu.memory_space<vmem_shared>> -> memref<10240x128xf32, #tpu.memory_space<vmem_shared>>
        tpu.wait_indirect_dma semaphore(%run_scoped3A_630 : memref<!tpu.dma_semaphore, #tpu.memory_space<semaphore_mem>>) src(%dma_wait3A_644 : memref<128x128xf32, #tpu.memory_space<vmem>>) dst(%dma_wait3A_650 : memref<10240x128xf32, #tpu.memory_space<vmem_shared>>)
        tpu.yield
      }) : () -> ()
      %add3A_331 = arith.constant 4 : i32
      %add3A_332 = arith.addi %add3A_314, %add3A_331 : i32
      %mul3A_333 = arith.constant 32 : i32
      %mul3A_334 = arith.muli %mul3A_333, %add3A_332 : i32
      %add3A_335 = arith.addi %add3A, %mul3A_334 : i32
      %lt3A_336 = arith.constant 2500 : i32
      %lt3A_337 = arith.cmpi slt, %add3A_335, %lt3A_336 : i32
      %convert_element_type3A_338 = arith.extui %lt3A_337 : i1 to i32
      %cond3A_339 = arith.constant 0 : i32
      %cond3A_340 = arith.cmpi ne, %convert_element_type3A_338, %cond3A_339 : i32
      scf.if %cond3A_340 {
        %add3A_630 = arith.constant 4 : i32
        %add3A_631 = arith.addi %add3A_314, %add3A_630 : i32
        %mul3A_632 = arith.constant 32 : i32
        %mul3A_633 = arith.muli %mul3A_632, %add3A_631 : i32
        %add3A_634 = arith.addi %add3A, %mul3A_633 : i32
        %mul3A_635 = arith.constant 128 : i32
        %mul3A_636 = arith.muli %add3A_634, %mul3A_635 : i32
        %dma_start3A_637 = arith.constant 0 : i32
        %dma_start3A_638 = arith.constant 0 : i32
        %dma_start3A_639 = arith.constant 0 : i32
        %dma_start3A_640 = arith.constant 0 : i32
        %dma_start3A_641 = tpu.memref_slice %arg5[%dma_start3A_638, %dma_start3A_639, %dma_start3A_640] : memref<4x2x128xi32, #tpu.memory_space<vmem>> -> memref<1x1x128xi32, #tpu.memory_space<vmem>>
        %dma_start3A_642 = tpu.memref_squeeze %dma_start3A_641 : memref<1x1x128xi32, #tpu.memory_space<vmem>> -> memref<128xi32, #tpu.memory_space<vmem>>
        %dma_start3A_643 = tpu.memref_slice %arg3[%dma_start3A_637, %mul3A_636] : memref<2x320000xi32, #tpu.memory_space<hbm>> -> memref<1x128xi32, #tpu.memory_space<hbm>>
        %dma_start3A_644 = tpu.memref_squeeze %dma_start3A_643 : memref<1x128xi32, #tpu.memory_space<hbm>> -> memref<128xi32, #tpu.memory_space<hbm>>
        %dma_start3A_645 = arith.constant 0 : i32
        %dma_start3A_646 = tpu.memref_slice %arg5[%dma_start3A_638, %dma_start3A_639, %dma_start3A_645] : memref<4x2x128xi32, #tpu.memory_space<vmem>> -> memref<1x1x128xi32, #tpu.memory_space<vmem>>
        %dma_start3A_647 = tpu.memref_squeeze %dma_start3A_646 : memref<1x1x128xi32, #tpu.memory_space<vmem>> -> memref<128xi32, #tpu.memory_space<vmem>>
        %dma_start3A_648 = tpu.memref_slice %arg3[%dma_start3A_637, %mul3A_636] : memref<2x320000xi32, #tpu.memory_space<hbm>> -> memref<1x128xi32, #tpu.memory_space<hbm>>
        %dma_start3A_649 = tpu.memref_squeeze %dma_start3A_648 : memref<1x128xi32, #tpu.memory_space<hbm>> -> memref<128xi32, #tpu.memory_space<hbm>>
        tpu.enqueue_dma source(%dma_start3A_649 : memref<128xi32, #tpu.memory_space<hbm>>) target(%dma_start3A_647 : memref<128xi32, #tpu.memory_space<vmem>>) target_semaphore(%arg8 : memref<!tpu.dma_semaphore, #tpu.memory_space<semaphore_mem>>)
        %mul3A_650 = arith.constant 32 : i32
        %mul3A_651 = arith.muli %mul3A_650, %add3A_631 : i32
        %add3A_652 = arith.addi %add3A, %mul3A_651 : i32
        %mul3A_653 = arith.constant 128 : i32
        %mul3A_654 = arith.muli %add3A_652, %mul3A_653 : i32
        %dma_start3A_655 = arith.constant 1 : i32
        %dma_start3A_656 = arith.constant 0 : i32
        %dma_start3A_657 = arith.constant 1 : i32
        %dma_start3A_658 = arith.constant 0 : i32
        %dma_start3A_659 = tpu.memref_slice %arg5[%dma_start3A_656, %dma_start3A_657, %dma_start3A_658] : memref<4x2x128xi32, #tpu.memory_space<vmem>> -> memref<1x1x128xi32, #tpu.memory_space<vmem>>
        %dma_start3A_660 = tpu.memref_squeeze %dma_start3A_659 : memref<1x1x128xi32, #tpu.memory_space<vmem>> -> memref<128xi32, #tpu.memory_space<vmem>>
        %dma_start3A_661 = tpu.memref_slice %arg3[%dma_start3A_655, %mul3A_654] : memref<2x320000xi32, #tpu.memory_space<hbm>> -> memref<1x128xi32, #tpu.memory_space<hbm>>
        %dma_start3A_662 = tpu.memref_squeeze %dma_start3A_661 : memref<1x128xi32, #tpu.memory_space<hbm>> -> memref<128xi32, #tpu.memory_space<hbm>>
        %dma_start3A_663 = arith.constant 0 : i32
        %dma_start3A_664 = tpu.memref_slice %arg5[%dma_start3A_656, %dma_start3A_657, %dma_start3A_663] : memref<4x2x128xi32, #tpu.memory_space<vmem>> -> memref<1x1x128xi32, #tpu.memory_space<vmem>>
        %dma_start3A_665 = tpu.memref_squeeze %dma_start3A_664 : memref<1x1x128xi32, #tpu.memory_space<vmem>> -> memref<128xi32, #tpu.memory_space<vmem>>
        %dma_start3A_666 = tpu.memref_slice %arg3[%dma_start3A_655, %mul3A_654] : memref<2x320000xi32, #tpu.memory_space<hbm>> -> memref<1x128xi32, #tpu.memory_space<hbm>>
        %dma_start3A_667 = tpu.memref_squeeze %dma_start3A_666 : memref<1x128xi32, #tpu.memory_space<hbm>> -> memref<128xi32, #tpu.memory_space<hbm>>
        tpu.enqueue_dma source(%dma_start3A_667 : memref<128xi32, #tpu.memory_space<hbm>>) target(%dma_start3A_665 : memref<128xi32, #tpu.memory_space<vmem>>) target_semaphore(%arg8 : memref<!tpu.dma_semaphore, #tpu.memory_space<semaphore_mem>>)
      } else {
      }
      %add3A_341 = arith.constant 2 : i32
      %add3A_342 = arith.addi %add3A_314, %add3A_341 : i32
      %mul3A_343 = arith.constant 32 : i32
      %mul3A_344 = arith.muli %mul3A_343, %add3A_342 : i32
      %add3A_345 = arith.addi %add3A, %mul3A_344 : i32
      %mul3A_346 = arith.constant 128 : i32
      %mul3A_347 = arith.muli %add3A_345, %mul3A_346 : i32
      %dma_wait3A_348 = arith.constant 0 : i32
      %dma_wait3A_349 = arith.constant 2 : i32
      %dma_wait3A_350 = arith.constant 0 : i32
      %dma_wait3A_351 = arith.constant 0 : i32
      %dma_wait3A_352 = tpu.memref_slice %arg5[%dma_wait3A_349, %dma_wait3A_350, %dma_wait3A_351] : memref<4x2x128xi32, #tpu.memory_space<vmem>> -> memref<1x1x128xi32, #tpu.memory_space<vmem>>
      %dma_wait3A_353 = tpu.memref_squeeze %dma_wait3A_352 : memref<1x1x128xi32, #tpu.memory_space<vmem>> -> memref<128xi32, #tpu.memory_space<vmem>>
      %dma_wait3A_354 = tpu.memref_slice %arg3[%dma_wait3A_348, %mul3A_347] : memref<2x320000xi32, #tpu.memory_space<hbm>> -> memref<1x128xi32, #tpu.memory_space<hbm>>
      %dma_wait3A_355 = tpu.memref_squeeze %dma_wait3A_354 : memref<1x128xi32, #tpu.memory_space<hbm>> -> memref<128xi32, #tpu.memory_space<hbm>>
      %dma_wait3A_356 = arith.constant 0 : i32
      %dma_wait3A_357 = tpu.memref_slice %arg5[%dma_wait3A_349, %dma_wait3A_350, %dma_wait3A_356] : memref<4x2x128xi32, #tpu.memory_space<vmem>> -> memref<1x1x128xi32, #tpu.memory_space<vmem>>
      %dma_wait3A_358 = tpu.memref_squeeze %dma_wait3A_357 : memref<1x1x128xi32, #tpu.memory_space<vmem>> -> memref<128xi32, #tpu.memory_space<vmem>>
      %dma_wait3A_359 = tpu.memref_slice %arg3[%dma_wait3A_348, %mul3A_347] : memref<2x320000xi32, #tpu.memory_space<hbm>> -> memref<1x128xi32, #tpu.memory_space<hbm>>
      %dma_wait3A_360 = tpu.memref_squeeze %dma_wait3A_359 : memref<1x128xi32, #tpu.memory_space<hbm>> -> memref<128xi32, #tpu.memory_space<hbm>>
      tpu.wait_dma2 semaphore(%arg10 : memref<!tpu.dma_semaphore, #tpu.memory_space<semaphore_mem>>) src(%dma_wait3A_360 : memref<128xi32, #tpu.memory_space<hbm>>) dst(%dma_wait3A_358 : memref<128xi32, #tpu.memory_space<vmem>>)
      %mul3A_361 = arith.constant 32 : i32
      %mul3A_362 = arith.muli %mul3A_361, %add3A_342 : i32
      %add3A_363 = arith.addi %add3A, %mul3A_362 : i32
      %mul3A_364 = arith.constant 128 : i32
      %mul3A_365 = arith.muli %add3A_363, %mul3A_364 : i32
      %dma_wait3A_366 = arith.constant 1 : i32
      %dma_wait3A_367 = arith.constant 2 : i32
      %dma_wait3A_368 = arith.constant 1 : i32
      %dma_wait3A_369 = arith.constant 0 : i32
      %dma_wait3A_370 = tpu.memref_slice %arg5[%dma_wait3A_367, %dma_wait3A_368, %dma_wait3A_369] : memref<4x2x128xi32, #tpu.memory_space<vmem>> -> memref<1x1x128xi32, #tpu.memory_space<vmem>>
      %dma_wait3A_371 = tpu.memref_squeeze %dma_wait3A_370 : memref<1x1x128xi32, #tpu.memory_space<vmem>> -> memref<128xi32, #tpu.memory_space<vmem>>
      %dma_wait3A_372 = tpu.memref_slice %arg3[%dma_wait3A_366, %mul3A_365] : memref<2x320000xi32, #tpu.memory_space<hbm>> -> memref<1x128xi32, #tpu.memory_space<hbm>>
      %dma_wait3A_373 = tpu.memref_squeeze %dma_wait3A_372 : memref<1x128xi32, #tpu.memory_space<hbm>> -> memref<128xi32, #tpu.memory_space<hbm>>
      %dma_wait3A_374 = arith.constant 0 : i32
      %dma_wait3A_375 = tpu.memref_slice %arg5[%dma_wait3A_367, %dma_wait3A_368, %dma_wait3A_374] : memref<4x2x128xi32, #tpu.memory_space<vmem>> -> memref<1x1x128xi32, #tpu.memory_space<vmem>>
      %dma_wait3A_376 = tpu.memref_squeeze %dma_wait3A_375 : memref<1x1x128xi32, #tpu.memory_space<vmem>> -> memref<128xi32, #tpu.memory_space<vmem>>
      %dma_wait3A_377 = tpu.memref_slice %arg3[%dma_wait3A_366, %mul3A_365] : memref<2x320000xi32, #tpu.memory_space<hbm>> -> memref<1x128xi32, #tpu.memory_space<hbm>>
      %dma_wait3A_378 = tpu.memref_squeeze %dma_wait3A_377 : memref<1x128xi32, #tpu.memory_space<hbm>> -> memref<128xi32, #tpu.memory_space<hbm>>
      tpu.wait_dma2 semaphore(%arg10 : memref<!tpu.dma_semaphore, #tpu.memory_space<semaphore_mem>>) src(%dma_wait3A_378 : memref<128xi32, #tpu.memory_space<hbm>>) dst(%dma_wait3A_376 : memref<128xi32, #tpu.memory_space<vmem>>)
      %dma_start3A_379 = arith.constant 2 : i32
      %dma_start3A_380 = arith.constant 0 : i32
      %dma_start3A_381 = arith.constant 0 : i32
      %dma_start3A_382 = arith.constant 0 : i32
      %dma_start3A_383 = arith.constant 0 : i32
      %dma_start3A_384 = tpu.memref_slice %arg6[%dma_start3A_381, %dma_start3A_382, %dma_start3A_383] : memref<2x128x128xf32, #tpu.memory_space<vmem>> -> memref<1x128x128xf32, #tpu.memory_space<vmem>>
      %dma_start3A_385 = tpu.memref_squeeze %dma_start3A_384 : memref<1x128x128xf32, #tpu.memory_space<vmem>> -> memref<128x128xf32, #tpu.memory_space<vmem>>
      %dma_start3A_386 = arith.constant 0 : i32
      %dma_start3A_387 = tpu.memref_slice %arg5[%dma_start3A_379, %dma_start3A_380, %dma_start3A_386] : memref<4x2x128xi32, #tpu.memory_space<vmem>> -> memref<1x1x128xi32, #tpu.memory_space<vmem>>
      %dma_start3A_388 = tpu.memref_squeeze %dma_start3A_387 : memref<1x1x128xi32, #tpu.memory_space<vmem>> -> memref<128xi32, #tpu.memory_space<vmem>>
      %dma_start3A_389 = arith.constant 0 : i32
      %dma_start3A_390 = arith.constant 0 : i32
      %dma_start3A_391 = tpu.memref_slice %arg2[%dma_start3A_389, %dma_start3A_390] : memref<10000x128xf32, #tpu.memory_space<hbm>> -> memref<10000x128xf32, #tpu.memory_space<hbm>>
      tpu.enqueue_indirect_dma source(%dma_start3A_391 : memref<10000x128xf32, #tpu.memory_space<hbm>>) target(%dma_start3A_385 : memref<128x128xf32, #tpu.memory_space<vmem>>) offsets(%dma_start3A_388 : memref<128xi32, #tpu.memory_space<vmem>>) semaphore(%arg12 : memref<!tpu.dma_semaphore, #tpu.memory_space<semaphore_mem>>)
      %add3A_392 = arith.constant 1 : i32
      %add3A_393 = arith.addi %mul3A_312, %add3A_392 : i32
      %dma_wait3A_394 = arith.constant 1 : i32
      %dma_wait3A_395 = arith.constant 0 : i32
      %dma_wait3A_396 = arith.constant 1 : i32
      %dma_wait3A_397 = arith.constant 0 : i32
      %dma_wait3A_398 = arith.constant 0 : i32
      %dma_wait3A_399 = tpu.memref_slice %arg6[%dma_wait3A_396, %dma_wait3A_397, %dma_wait3A_398] : memref<2x128x128xf32, #tpu.memory_space<vmem>> -> memref<1x128x128xf32, #tpu.memory_space<vmem>>
      %dma_wait3A_400 = tpu.memref_squeeze %dma_wait3A_399 : memref<1x128x128xf32, #tpu.memory_space<vmem>> -> memref<128x128xf32, #tpu.memory_space<vmem>>
      %dma_wait3A_401 = arith.constant 0 : i32
      %dma_wait3A_402 = tpu.memref_slice %arg5[%dma_wait3A_394, %dma_wait3A_395, %dma_wait3A_401] : memref<4x2x128xi32, #tpu.memory_space<vmem>> -> memref<1x1x128xi32, #tpu.memory_space<vmem>>
      %dma_wait3A_403 = tpu.memref_squeeze %dma_wait3A_402 : memref<1x1x128xi32, #tpu.memory_space<vmem>> -> memref<128xi32, #tpu.memory_space<vmem>>
      %dma_wait3A_404 = arith.constant 0 : i32
      %dma_wait3A_405 = arith.constant 0 : i32
      %dma_wait3A_406 = tpu.memref_slice %arg2[%dma_wait3A_404, %dma_wait3A_405] : memref<10000x128xf32, #tpu.memory_space<hbm>> -> memref<10000x128xf32, #tpu.memory_space<hbm>>
      tpu.wait_indirect_dma semaphore(%arg13 : memref<!tpu.dma_semaphore, #tpu.memory_space<semaphore_mem>>) src(%dma_wait3A_406 : memref<10000x128xf32, #tpu.memory_space<hbm>>) dst(%dma_wait3A_400 : memref<128x128xf32, #tpu.memory_space<vmem>>)
      %run_scoped3A_407 = arith.constant 1 : i32
      %run_scoped3A_408 = arith.constant 1 : i32
      %run_scoped3A_409 = arith.constant 1 : i32
      "tpu.region"() ({
        %run_scoped3A_630 = tpu.sem_alloc : memref<!tpu.dma_semaphore, #tpu.memory_space<semaphore_mem>>
        %dma_start3A_631 = arith.constant 0 : i32
        %dma_start3A_632 = arith.constant 0 : i32
        %dma_start3A_633 = tpu.memref_slice %arg6[%run_scoped3A_407, %dma_start3A_631, %dma_start3A_632] : memref<2x128x128xf32, #tpu.memory_space<vmem>> -> memref<1x128x128xf32, #tpu.memory_space<vmem>>
        %dma_start3A_634 = tpu.memref_squeeze %dma_start3A_633 : memref<1x128x128xf32, #tpu.memory_space<vmem>> -> memref<128x128xf32, #tpu.memory_space<vmem>>
        %dma_start3A_635 = arith.constant 0 : i32
        %dma_start3A_636 = tpu.memref_slice %arg5[%run_scoped3A_408, %run_scoped3A_409, %dma_start3A_635] : memref<4x2x128xi32, #tpu.memory_space<vmem>> -> memref<1x1x128xi32, #tpu.memory_space<vmem>>
        %dma_start3A_637 = tpu.memref_squeeze %dma_start3A_636 : memref<1x1x128xi32, #tpu.memory_space<vmem>> -> memref<128xi32, #tpu.memory_space<vmem>>
        %dma_start3A_638 = arith.constant 0 : i32
        %dma_start3A_639 = arith.constant 0 : i32
        %dma_start3A_640 = tpu.memref_slice %arg7[%dma_start3A_638, %dma_start3A_639] : memref<10240x128xf32, #tpu.memory_space<vmem_shared>> -> memref<10240x128xf32, #tpu.memory_space<vmem_shared>>
        tpu.enqueue_indirect_dma source(%dma_start3A_634 : memref<128x128xf32, #tpu.memory_space<vmem>>) target(%dma_start3A_640 : memref<10240x128xf32, #tpu.memory_space<vmem_shared>>) offsets(%dma_start3A_637 : memref<128xi32, #tpu.memory_space<vmem>>) semaphore(%run_scoped3A_630 : memref<!tpu.dma_semaphore, #tpu.memory_space<semaphore_mem>>) {add = true}
        %dma_wait3A_641 = arith.constant 0 : i32
        %dma_wait3A_642 = arith.constant 0 : i32
        %dma_wait3A_643 = tpu.memref_slice %arg6[%run_scoped3A_407, %dma_wait3A_641, %dma_wait3A_642] : memref<2x128x128xf32, #tpu.memory_space<vmem>> -> memref<1x128x128xf32, #tpu.memory_space<vmem>>
        %dma_wait3A_644 = tpu.memref_squeeze %dma_wait3A_643 : memref<1x128x128xf32, #tpu.memory_space<vmem>> -> memref<128x128xf32, #tpu.memory_space<vmem>>
        %dma_wait3A_645 = arith.constant 0 : i32
        %dma_wait3A_646 = tpu.memref_slice %arg5[%run_scoped3A_408, %run_scoped3A_409, %dma_wait3A_645] : memref<4x2x128xi32, #tpu.memory_space<vmem>> -> memref<1x1x128xi32, #tpu.memory_space<vmem>>
        %dma_wait3A_647 = tpu.memref_squeeze %dma_wait3A_646 : memref<1x1x128xi32, #tpu.memory_space<vmem>> -> memref<128xi32, #tpu.memory_space<vmem>>
        %dma_wait3A_648 = arith.constant 0 : i32
        %dma_wait3A_649 = arith.constant 0 : i32
        %dma_wait3A_650 = tpu.memref_slice %arg7[%dma_wait3A_648, %dma_wait3A_649] : memref<10240x128xf32, #tpu.memory_space<vmem_shared>> -> memref<10240x128xf32, #tpu.memory_space<vmem_shared>>
        tpu.wait_indirect_dma semaphore(%run_scoped3A_630 : memref<!tpu.dma_semaphore, #tpu.memory_space<semaphore_mem>>) src(%dma_wait3A_644 : memref<128x128xf32, #tpu.memory_space<vmem>>) dst(%dma_wait3A_650 : memref<10240x128xf32, #tpu.memory_space<vmem_shared>>)
        tpu.yield
      }) : () -> ()
      %add3A_410 = arith.constant 4 : i32
      %add3A_411 = arith.addi %add3A_393, %add3A_410 : i32
      %mul3A_412 = arith.constant 32 : i32
      %mul3A_413 = arith.muli %mul3A_412, %add3A_411 : i32
      %add3A_414 = arith.addi %add3A, %mul3A_413 : i32
      %lt3A_415 = arith.constant 2500 : i32
      %lt3A_416 = arith.cmpi slt, %add3A_414, %lt3A_415 : i32
      %convert_element_type3A_417 = arith.extui %lt3A_416 : i1 to i32
      %cond3A_418 = arith.constant 0 : i32
      %cond3A_419 = arith.cmpi ne, %convert_element_type3A_417, %cond3A_418 : i32
      scf.if %cond3A_419 {
        %add3A_630 = arith.constant 4 : i32
        %add3A_631 = arith.addi %add3A_393, %add3A_630 : i32
        %mul3A_632 = arith.constant 32 : i32
        %mul3A_633 = arith.muli %mul3A_632, %add3A_631 : i32
        %add3A_634 = arith.addi %add3A, %mul3A_633 : i32
        %mul3A_635 = arith.constant 128 : i32
        %mul3A_636 = arith.muli %add3A_634, %mul3A_635 : i32
        %dma_start3A_637 = arith.constant 0 : i32
        %dma_start3A_638 = arith.constant 1 : i32
        %dma_start3A_639 = arith.constant 0 : i32
        %dma_start3A_640 = arith.constant 0 : i32
        %dma_start3A_641 = tpu.memref_slice %arg5[%dma_start3A_638, %dma_start3A_639, %dma_start3A_640] : memref<4x2x128xi32, #tpu.memory_space<vmem>> -> memref<1x1x128xi32, #tpu.memory_space<vmem>>
        %dma_start3A_642 = tpu.memref_squeeze %dma_start3A_641 : memref<1x1x128xi32, #tpu.memory_space<vmem>> -> memref<128xi32, #tpu.memory_space<vmem>>
        %dma_start3A_643 = tpu.memref_slice %arg3[%dma_start3A_637, %mul3A_636] : memref<2x320000xi32, #tpu.memory_space<hbm>> -> memref<1x128xi32, #tpu.memory_space<hbm>>
        %dma_start3A_644 = tpu.memref_squeeze %dma_start3A_643 : memref<1x128xi32, #tpu.memory_space<hbm>> -> memref<128xi32, #tpu.memory_space<hbm>>
        %dma_start3A_645 = arith.constant 0 : i32
        %dma_start3A_646 = tpu.memref_slice %arg5[%dma_start3A_638, %dma_start3A_639, %dma_start3A_645] : memref<4x2x128xi32, #tpu.memory_space<vmem>> -> memref<1x1x128xi32, #tpu.memory_space<vmem>>
        %dma_start3A_647 = tpu.memref_squeeze %dma_start3A_646 : memref<1x1x128xi32, #tpu.memory_space<vmem>> -> memref<128xi32, #tpu.memory_space<vmem>>
        %dma_start3A_648 = tpu.memref_slice %arg3[%dma_start3A_637, %mul3A_636] : memref<2x320000xi32, #tpu.memory_space<hbm>> -> memref<1x128xi32, #tpu.memory_space<hbm>>
        %dma_start3A_649 = tpu.memref_squeeze %dma_start3A_648 : memref<1x128xi32, #tpu.memory_space<hbm>> -> memref<128xi32, #tpu.memory_space<hbm>>
        tpu.enqueue_dma source(%dma_start3A_649 : memref<128xi32, #tpu.memory_space<hbm>>) target(%dma_start3A_647 : memref<128xi32, #tpu.memory_space<vmem>>) target_semaphore(%arg9 : memref<!tpu.dma_semaphore, #tpu.memory_space<semaphore_mem>>)
        %mul3A_650 = arith.constant 32 : i32
        %mul3A_651 = arith.muli %mul3A_650, %add3A_631 : i32
        %add3A_652 = arith.addi %add3A, %mul3A_651 : i32
        %mul3A_653 = arith.constant 128 : i32
        %mul3A_654 = arith.muli %add3A_652, %mul3A_653 : i32
        %dma_start3A_655 = arith.constant 1 : i32
        %dma_start3A_656 = arith.constant 1 : i32
        %dma_start3A_657 = arith.constant 1 : i32
        %dma_start3A_658 = arith.constant 0 : i32
        %dma_start3A_659 = tpu.memref_slice %arg5[%dma_start3A_656, %dma_start3A_657, %dma_start3A_658] : memref<4x2x128xi32, #tpu.memory_space<vmem>> -> memref<1x1x128xi32, #tpu.memory_space<vmem>>
        %dma_start3A_660 = tpu.memref_squeeze %dma_start3A_659 : memref<1x1x128xi32, #tpu.memory_space<vmem>> -> memref<128xi32, #tpu.memory_space<vmem>>
        %dma_start3A_661 = tpu.memref_slice %arg3[%dma_start3A_655, %mul3A_654] : memref<2x320000xi32, #tpu.memory_space<hbm>> -> memref<1x128xi32, #tpu.memory_space<hbm>>
        %dma_start3A_662 = tpu.memref_squeeze %dma_start3A_661 : memref<1x128xi32, #tpu.memory_space<hbm>> -> memref<128xi32, #tpu.memory_space<hbm>>
        %dma_start3A_663 = arith.constant 0 : i32
        %dma_start3A_664 = tpu.memref_slice %arg5[%dma_start3A_656, %dma_start3A_657, %dma_start3A_663] : memref<4x2x128xi32, #tpu.memory_space<vmem>> -> memref<1x1x128xi32, #tpu.memory_space<vmem>>
        %dma_start3A_665 = tpu.memref_squeeze %dma_start3A_664 : memref<1x1x128xi32, #tpu.memory_space<vmem>> -> memref<128xi32, #tpu.memory_space<vmem>>
        %dma_start3A_666 = tpu.memref_slice %arg3[%dma_start3A_655, %mul3A_654] : memref<2x320000xi32, #tpu.memory_space<hbm>> -> memref<1x128xi32, #tpu.memory_space<hbm>>
        %dma_start3A_667 = tpu.memref_squeeze %dma_start3A_666 : memref<1x128xi32, #tpu.memory_space<hbm>> -> memref<128xi32, #tpu.memory_space<hbm>>
        tpu.enqueue_dma source(%dma_start3A_667 : memref<128xi32, #tpu.memory_space<hbm>>) target(%dma_start3A_665 : memref<128xi32, #tpu.memory_space<vmem>>) target_semaphore(%arg9 : memref<!tpu.dma_semaphore, #tpu.memory_space<semaphore_mem>>)
      } else {
      }
      %add3A_420 = arith.constant 2 : i32
      %add3A_421 = arith.addi %add3A_393, %add3A_420 : i32
      %mul3A_422 = arith.constant 32 : i32
      %mul3A_423 = arith.muli %mul3A_422, %add3A_421 : i32
      %add3A_424 = arith.addi %add3A, %mul3A_423 : i32
      %mul3A_425 = arith.constant 128 : i32
      %mul3A_426 = arith.muli %add3A_424, %mul3A_425 : i32
      %dma_wait3A_427 = arith.constant 0 : i32
      %dma_wait3A_428 = arith.constant 3 : i32
      %dma_wait3A_429 = arith.constant 0 : i32
      %dma_wait3A_430 = arith.constant 0 : i32
      %dma_wait3A_431 = tpu.memref_slice %arg5[%dma_wait3A_428, %dma_wait3A_429, %dma_wait3A_430] : memref<4x2x128xi32, #tpu.memory_space<vmem>> -> memref<1x1x128xi32, #tpu.memory_space<vmem>>
      %dma_wait3A_432 = tpu.memref_squeeze %dma_wait3A_431 : memref<1x1x128xi32, #tpu.memory_space<vmem>> -> memref<128xi32, #tpu.memory_space<vmem>>
      %dma_wait3A_433 = tpu.memref_slice %arg3[%dma_wait3A_427, %mul3A_426] : memref<2x320000xi32, #tpu.memory_space<hbm>> -> memref<1x128xi32, #tpu.memory_space<hbm>>
      %dma_wait3A_434 = tpu.memref_squeeze %dma_wait3A_433 : memref<1x128xi32, #tpu.memory_space<hbm>> -> memref<128xi32, #tpu.memory_space<hbm>>
      %dma_wait3A_435 = arith.constant 0 : i32
      %dma_wait3A_436 = tpu.memref_slice %arg5[%dma_wait3A_428, %dma_wait3A_429, %dma_wait3A_435] : memref<4x2x128xi32, #tpu.memory_space<vmem>> -> memref<1x1x128xi32, #tpu.memory_space<vmem>>
      %dma_wait3A_437 = tpu.memref_squeeze %dma_wait3A_436 : memref<1x1x128xi32, #tpu.memory_space<vmem>> -> memref<128xi32, #tpu.memory_space<vmem>>
      %dma_wait3A_438 = tpu.memref_slice %arg3[%dma_wait3A_427, %mul3A_426] : memref<2x320000xi32, #tpu.memory_space<hbm>> -> memref<1x128xi32, #tpu.memory_space<hbm>>
      %dma_wait3A_439 = tpu.memref_squeeze %dma_wait3A_438 : memref<1x128xi32, #tpu.memory_space<hbm>> -> memref<128xi32, #tpu.memory_space<hbm>>
      tpu.wait_dma2 semaphore(%arg11 : memref<!tpu.dma_semaphore, #tpu.memory_space<semaphore_mem>>) src(%dma_wait3A_439 : memref<128xi32, #tpu.memory_space<hbm>>) dst(%dma_wait3A_437 : memref<128xi32, #tpu.memory_space<vmem>>)
      %mul3A_440 = arith.constant 32 : i32
      %mul3A_441 = arith.muli %mul3A_440, %add3A_421 : i32
      %add3A_442 = arith.addi %add3A, %mul3A_441 : i32
      %mul3A_443 = arith.constant 128 : i32
      %mul3A_444 = arith.muli %add3A_442, %mul3A_443 : i32
      %dma_wait3A_445 = arith.constant 1 : i32
      %dma_wait3A_446 = arith.constant 3 : i32
      %dma_wait3A_447 = arith.constant 1 : i32
      %dma_wait3A_448 = arith.constant 0 : i32
      %dma_wait3A_449 = tpu.memref_slice %arg5[%dma_wait3A_446, %dma_wait3A_447, %dma_wait3A_448] : memref<4x2x128xi32, #tpu.memory_space<vmem>> -> memref<1x1x128xi32, #tpu.memory_space<vmem>>
      %dma_wait3A_450 = tpu.memref_squeeze %dma_wait3A_449 : memref<1x1x128xi32, #tpu.memory_space<vmem>> -> memref<128xi32, #tpu.memory_space<vmem>>
      %dma_wait3A_451 = tpu.memref_slice %arg3[%dma_wait3A_445, %mul3A_444] : memref<2x320000xi32, #tpu.memory_space<hbm>> -> memref<1x128xi32, #tpu.memory_space<hbm>>
      %dma_wait3A_452 = tpu.memref_squeeze %dma_wait3A_451 : memref<1x128xi32, #tpu.memory_space<hbm>> -> memref<128xi32, #tpu.memory_space<hbm>>
      %dma_wait3A_453 = arith.constant 0 : i32
      %dma_wait3A_454 = tpu.memref_slice %arg5[%dma_wait3A_446, %dma_wait3A_447, %dma_wait3A_453] : memref<4x2x128xi32, #tpu.memory_space<vmem>> -> memref<1x1x128xi32, #tpu.memory_space<vmem>>
      %dma_wait3A_455 = tpu.memref_squeeze %dma_wait3A_454 : memref<1x1x128xi32, #tpu.memory_space<vmem>> -> memref<128xi32, #tpu.memory_space<vmem>>
      %dma_wait3A_456 = tpu.memref_slice %arg3[%dma_wait3A_445, %mul3A_444] : memref<2x320000xi32, #tpu.memory_space<hbm>> -> memref<1x128xi32, #tpu.memory_space<hbm>>
      %dma_wait3A_457 = tpu.memref_squeeze %dma_wait3A_456 : memref<1x128xi32, #tpu.memory_space<hbm>> -> memref<128xi32, #tpu.memory_space<hbm>>
      tpu.wait_dma2 semaphore(%arg11 : memref<!tpu.dma_semaphore, #tpu.memory_space<semaphore_mem>>) src(%dma_wait3A_457 : memref<128xi32, #tpu.memory_space<hbm>>) dst(%dma_wait3A_455 : memref<128xi32, #tpu.memory_space<vmem>>)
      %dma_start3A_458 = arith.constant 3 : i32
      %dma_start3A_459 = arith.constant 0 : i32
      %dma_start3A_460 = arith.constant 1 : i32
      %dma_start3A_461 = arith.constant 0 : i32
      %dma_start3A_462 = arith.constant 0 : i32
      %dma_start3A_463 = tpu.memref_slice %arg6[%dma_start3A_460, %dma_start3A_461, %dma_start3A_462] : memref<2x128x128xf32, #tpu.memory_space<vmem>> -> memref<1x128x128xf32, #tpu.memory_space<vmem>>
      %dma_start3A_464 = tpu.memref_squeeze %dma_start3A_463 : memref<1x128x128xf32, #tpu.memory_space<vmem>> -> memref<128x128xf32, #tpu.memory_space<vmem>>
      %dma_start3A_465 = arith.constant 0 : i32
      %dma_start3A_466 = tpu.memref_slice %arg5[%dma_start3A_458, %dma_start3A_459, %dma_start3A_465] : memref<4x2x128xi32, #tpu.memory_space<vmem>> -> memref<1x1x128xi32, #tpu.memory_space<vmem>>
      %dma_start3A_467 = tpu.memref_squeeze %dma_start3A_466 : memref<1x1x128xi32, #tpu.memory_space<vmem>> -> memref<128xi32, #tpu.memory_space<vmem>>
      %dma_start3A_468 = arith.constant 0 : i32
      %dma_start3A_469 = arith.constant 0 : i32
      %dma_start3A_470 = tpu.memref_slice %arg2[%dma_start3A_468, %dma_start3A_469] : memref<10000x128xf32, #tpu.memory_space<hbm>> -> memref<10000x128xf32, #tpu.memory_space<hbm>>
      tpu.enqueue_indirect_dma source(%dma_start3A_470 : memref<10000x128xf32, #tpu.memory_space<hbm>>) target(%dma_start3A_464 : memref<128x128xf32, #tpu.memory_space<vmem>>) offsets(%dma_start3A_467 : memref<128xi32, #tpu.memory_space<vmem>>) semaphore(%arg13 : memref<!tpu.dma_semaphore, #tpu.memory_space<semaphore_mem>>)
      %add3A_471 = arith.constant 2 : i32
      %add3A_472 = arith.addi %mul3A_312, %add3A_471 : i32
      %dma_wait3A_473 = arith.constant 2 : i32
      %dma_wait3A_474 = arith.constant 0 : i32
      %dma_wait3A_475 = arith.constant 0 : i32
      %dma_wait3A_476 = arith.constant 0 : i32
      %dma_wait3A_477 = arith.constant 0 : i32
      %dma_wait3A_478 = tpu.memref_slice %arg6[%dma_wait3A_475, %dma_wait3A_476, %dma_wait3A_477] : memref<2x128x128xf32, #tpu.memory_space<vmem>> -> memref<1x128x128xf32, #tpu.memory_space<vmem>>
      %dma_wait3A_479 = tpu.memref_squeeze %dma_wait3A_478 : memref<1x128x128xf32, #tpu.memory_space<vmem>> -> memref<128x128xf32, #tpu.memory_space<vmem>>
      %dma_wait3A_480 = arith.constant 0 : i32
      %dma_wait3A_481 = tpu.memref_slice %arg5[%dma_wait3A_473, %dma_wait3A_474, %dma_wait3A_480] : memref<4x2x128xi32, #tpu.memory_space<vmem>> -> memref<1x1x128xi32, #tpu.memory_space<vmem>>
      %dma_wait3A_482 = tpu.memref_squeeze %dma_wait3A_481 : memref<1x1x128xi32, #tpu.memory_space<vmem>> -> memref<128xi32, #tpu.memory_space<vmem>>
      %dma_wait3A_483 = arith.constant 0 : i32
      %dma_wait3A_484 = arith.constant 0 : i32
      %dma_wait3A_485 = tpu.memref_slice %arg2[%dma_wait3A_483, %dma_wait3A_484] : memref<10000x128xf32, #tpu.memory_space<hbm>> -> memref<10000x128xf32, #tpu.memory_space<hbm>>
      tpu.wait_indirect_dma semaphore(%arg12 : memref<!tpu.dma_semaphore, #tpu.memory_space<semaphore_mem>>) src(%dma_wait3A_485 : memref<10000x128xf32, #tpu.memory_space<hbm>>) dst(%dma_wait3A_479 : memref<128x128xf32, #tpu.memory_space<vmem>>)
      %run_scoped3A_486 = arith.constant 0 : i32
      %run_scoped3A_487 = arith.constant 2 : i32
      %run_scoped3A_488 = arith.constant 1 : i32
      "tpu.region"() ({
        %run_scoped3A_630 = tpu.sem_alloc : memref<!tpu.dma_semaphore, #tpu.memory_space<semaphore_mem>>
        %dma_start3A_631 = arith.constant 0 : i32
        %dma_start3A_632 = arith.constant 0 : i32
        %dma_start3A_633 = tpu.memref_slice %arg6[%run_scoped3A_486, %dma_start3A_631, %dma_start3A_632] : memref<2x128x128xf32, #tpu.memory_space<vmem>> -> memref<1x128x128xf32, #tpu.memory_space<vmem>>
        %dma_start3A_634 = tpu.memref_squeeze %dma_start3A_633 : memref<1x128x128xf32, #tpu.memory_space<vmem>> -> memref<128x128xf32, #tpu.memory_space<vmem>>
        %dma_start3A_635 = arith.constant 0 : i32
        %dma_start3A_636 = tpu.memref_slice %arg5[%run_scoped3A_487, %run_scoped3A_488, %dma_start3A_635] : memref<4x2x128xi32, #tpu.memory_space<vmem>> -> memref<1x1x128xi32, #tpu.memory_space<vmem>>
        %dma_start3A_637 = tpu.memref_squeeze %dma_start3A_636 : memref<1x1x128xi32, #tpu.memory_space<vmem>> -> memref<128xi32, #tpu.memory_space<vmem>>
        %dma_start3A_638 = arith.constant 0 : i32
        %dma_start3A_639 = arith.constant 0 : i32
        %dma_start3A_640 = tpu.memref_slice %arg7[%dma_start3A_638, %dma_start3A_639] : memref<10240x128xf32, #tpu.memory_space<vmem_shared>> -> memref<10240x128xf32, #tpu.memory_space<vmem_shared>>
        tpu.enqueue_indirect_dma source(%dma_start3A_634 : memref<128x128xf32, #tpu.memory_space<vmem>>) target(%dma_start3A_640 : memref<10240x128xf32, #tpu.memory_space<vmem_shared>>) offsets(%dma_start3A_637 : memref<128xi32, #tpu.memory_space<vmem>>) semaphore(%run_scoped3A_630 : memref<!tpu.dma_semaphore, #tpu.memory_space<semaphore_mem>>) {add = true}
        %dma_wait3A_641 = arith.constant 0 : i32
        %dma_wait3A_642 = arith.constant 0 : i32
        %dma_wait3A_643 = tpu.memref_slice %arg6[%run_scoped3A_486, %dma_wait3A_641, %dma_wait3A_642] : memref<2x128x128xf32, #tpu.memory_space<vmem>> -> memref<1x128x128xf32, #tpu.memory_space<vmem>>
        %dma_wait3A_644 = tpu.memref_squeeze %dma_wait3A_643 : memref<1x128x128xf32, #tpu.memory_space<vmem>> -> memref<128x128xf32, #tpu.memory_space<vmem>>
        %dma_wait3A_645 = arith.constant 0 : i32
        %dma_wait3A_646 = tpu.memref_slice %arg5[%run_scoped3A_487, %run_scoped3A_488, %dma_wait3A_645] : memref<4x2x128xi32, #tpu.memory_space<vmem>> -> memref<1x1x128xi32, #tpu.memory_space<vmem>>
        %dma_wait3A_647 = tpu.memref_squeeze %dma_wait3A_646 : memref<1x1x128xi32, #tpu.memory_space<vmem>> -> memref<128xi32, #tpu.memory_space<vmem>>
        %dma_wait3A_648 = arith.constant 0 : i32
        %dma_wait3A_649 = arith.constant 0 : i32
        %dma_wait3A_650 = tpu.memref_slice %arg7[%dma_wait3A_648, %dma_wait3A_649] : memref<10240x128xf32, #tpu.memory_space<vmem_shared>> -> memref<10240x128xf32, #tpu.memory_space<vmem_shared>>
        tpu.wait_indirect_dma semaphore(%run_scoped3A_630 : memref<!tpu.dma_semaphore, #tpu.memory_space<semaphore_mem>>) src(%dma_wait3A_644 : memref<128x128xf32, #tpu.memory_space<vmem>>) dst(%dma_wait3A_650 : memref<10240x128xf32, #tpu.memory_space<vmem_shared>>)
        tpu.yield
      }) : () -> ()
      %add3A_489 = arith.constant 4 : i32
      %add3A_490 = arith.addi %add3A_472, %add3A_489 : i32
      %mul3A_491 = arith.constant 32 : i32
      %mul3A_492 = arith.muli %mul3A_491, %add3A_490 : i32
      %add3A_493 = arith.addi %add3A, %mul3A_492 : i32
      %lt3A_494 = arith.constant 2500 : i32
      %lt3A_495 = arith.cmpi slt, %add3A_493, %lt3A_494 : i32
      %convert_element_type3A_496 = arith.extui %lt3A_495 : i1 to i32
      %cond3A_497 = arith.constant 0 : i32
      %cond3A_498 = arith.cmpi ne, %convert_element_type3A_496, %cond3A_497 : i32
      scf.if %cond3A_498 {
        %add3A_630 = arith.constant 4 : i32
        %add3A_631 = arith.addi %add3A_472, %add3A_630 : i32
        %mul3A_632 = arith.constant 32 : i32
        %mul3A_633 = arith.muli %mul3A_632, %add3A_631 : i32
        %add3A_634 = arith.addi %add3A, %mul3A_633 : i32
        %mul3A_635 = arith.constant 128 : i32
        %mul3A_636 = arith.muli %add3A_634, %mul3A_635 : i32
        %dma_start3A_637 = arith.constant 0 : i32
        %dma_start3A_638 = arith.constant 2 : i32
        %dma_start3A_639 = arith.constant 0 : i32
        %dma_start3A_640 = arith.constant 0 : i32
        %dma_start3A_641 = tpu.memref_slice %arg5[%dma_start3A_638, %dma_start3A_639, %dma_start3A_640] : memref<4x2x128xi32, #tpu.memory_space<vmem>> -> memref<1x1x128xi32, #tpu.memory_space<vmem>>
        %dma_start3A_642 = tpu.memref_squeeze %dma_start3A_641 : memref<1x1x128xi32, #tpu.memory_space<vmem>> -> memref<128xi32, #tpu.memory_space<vmem>>
        %dma_start3A_643 = tpu.memref_slice %arg3[%dma_start3A_637, %mul3A_636] : memref<2x320000xi32, #tpu.memory_space<hbm>> -> memref<1x128xi32, #tpu.memory_space<hbm>>
        %dma_start3A_644 = tpu.memref_squeeze %dma_start3A_643 : memref<1x128xi32, #tpu.memory_space<hbm>> -> memref<128xi32, #tpu.memory_space<hbm>>
        %dma_start3A_645 = arith.constant 0 : i32
        %dma_start3A_646 = tpu.memref_slice %arg5[%dma_start3A_638, %dma_start3A_639, %dma_start3A_645] : memref<4x2x128xi32, #tpu.memory_space<vmem>> -> memref<1x1x128xi32, #tpu.memory_space<vmem>>
        %dma_start3A_647 = tpu.memref_squeeze %dma_start3A_646 : memref<1x1x128xi32, #tpu.memory_space<vmem>> -> memref<128xi32, #tpu.memory_space<vmem>>
        %dma_start3A_648 = tpu.memref_slice %arg3[%dma_start3A_637, %mul3A_636] : memref<2x320000xi32, #tpu.memory_space<hbm>> -> memref<1x128xi32, #tpu.memory_space<hbm>>
        %dma_start3A_649 = tpu.memref_squeeze %dma_start3A_648 : memref<1x128xi32, #tpu.memory_space<hbm>> -> memref<128xi32, #tpu.memory_space<hbm>>
        tpu.enqueue_dma source(%dma_start3A_649 : memref<128xi32, #tpu.memory_space<hbm>>) target(%dma_start3A_647 : memref<128xi32, #tpu.memory_space<vmem>>) target_semaphore(%arg10 : memref<!tpu.dma_semaphore, #tpu.memory_space<semaphore_mem>>)
        %mul3A_650 = arith.constant 32 : i32
        %mul3A_651 = arith.muli %mul3A_650, %add3A_631 : i32
        %add3A_652 = arith.addi %add3A, %mul3A_651 : i32
        %mul3A_653 = arith.constant 128 : i32
        %mul3A_654 = arith.muli %add3A_652, %mul3A_653 : i32
        %dma_start3A_655 = arith.constant 1 : i32
        %dma_start3A_656 = arith.constant 2 : i32
        %dma_start3A_657 = arith.constant 1 : i32
        %dma_start3A_658 = arith.constant 0 : i32
        %dma_start3A_659 = tpu.memref_slice %arg5[%dma_start3A_656, %dma_start3A_657, %dma_start3A_658] : memref<4x2x128xi32, #tpu.memory_space<vmem>> -> memref<1x1x128xi32, #tpu.memory_space<vmem>>
        %dma_start3A_660 = tpu.memref_squeeze %dma_start3A_659 : memref<1x1x128xi32, #tpu.memory_space<vmem>> -> memref<128xi32, #tpu.memory_space<vmem>>
        %dma_start3A_661 = tpu.memref_slice %arg3[%dma_start3A_655, %mul3A_654] : memref<2x320000xi32, #tpu.memory_space<hbm>> -> memref<1x128xi32, #tpu.memory_space<hbm>>
        %dma_start3A_662 = tpu.memref_squeeze %dma_start3A_661 : memref<1x128xi32, #tpu.memory_space<hbm>> -> memref<128xi32, #tpu.memory_space<hbm>>
        %dma_start3A_663 = arith.constant 0 : i32
        %dma_start3A_664 = tpu.memref_slice %arg5[%dma_start3A_656, %dma_start3A_657, %dma_start3A_663] : memref<4x2x128xi32, #tpu.memory_space<vmem>> -> memref<1x1x128xi32, #tpu.memory_space<vmem>>
        %dma_start3A_665 = tpu.memref_squeeze %dma_start3A_664 : memref<1x1x128xi32, #tpu.memory_space<vmem>> -> memref<128xi32, #tpu.memory_space<vmem>>
        %dma_start3A_666 = tpu.memref_slice %arg3[%dma_start3A_655, %mul3A_654] : memref<2x320000xi32, #tpu.memory_space<hbm>> -> memref<1x128xi32, #tpu.memory_space<hbm>>
        %dma_start3A_667 = tpu.memref_squeeze %dma_start3A_666 : memref<1x128xi32, #tpu.memory_space<hbm>> -> memref<128xi32, #tpu.memory_space<hbm>>
        tpu.enqueue_dma source(%dma_start3A_667 : memref<128xi32, #tpu.memory_space<hbm>>) target(%dma_start3A_665 : memref<128xi32, #tpu.memory_space<vmem>>) target_semaphore(%arg10 : memref<!tpu.dma_semaphore, #tpu.memory_space<semaphore_mem>>)
      } else {
      }
      %add3A_499 = arith.constant 2 : i32
      %add3A_500 = arith.addi %add3A_472, %add3A_499 : i32
      %mul3A_501 = arith.constant 32 : i32
      %mul3A_502 = arith.muli %mul3A_501, %add3A_500 : i32
      %add3A_503 = arith.addi %add3A, %mul3A_502 : i32
      %mul3A_504 = arith.constant 128 : i32
      %mul3A_505 = arith.muli %add3A_503, %mul3A_504 : i32
      %dma_wait3A_506 = arith.constant 0 : i32
      %dma_wait3A_507 = arith.constant 0 : i32
      %dma_wait3A_508 = arith.constant 0 : i32
      %dma_wait3A_509 = arith.constant 0 : i32
      %dma_wait3A_510 = tpu.memref_slice %arg5[%dma_wait3A_507, %dma_wait3A_508, %dma_wait3A_509] : memref<4x2x128xi32, #tpu.memory_space<vmem>> -> memref<1x1x128xi32, #tpu.memory_space<vmem>>
      %dma_wait3A_511 = tpu.memref_squeeze %dma_wait3A_510 : memref<1x1x128xi32, #tpu.memory_space<vmem>> -> memref<128xi32, #tpu.memory_space<vmem>>
      %dma_wait3A_512 = tpu.memref_slice %arg3[%dma_wait3A_506, %mul3A_505] : memref<2x320000xi32, #tpu.memory_space<hbm>> -> memref<1x128xi32, #tpu.memory_space<hbm>>
      %dma_wait3A_513 = tpu.memref_squeeze %dma_wait3A_512 : memref<1x128xi32, #tpu.memory_space<hbm>> -> memref<128xi32, #tpu.memory_space<hbm>>
      %dma_wait3A_514 = arith.constant 0 : i32
      %dma_wait3A_515 = tpu.memref_slice %arg5[%dma_wait3A_507, %dma_wait3A_508, %dma_wait3A_514] : memref<4x2x128xi32, #tpu.memory_space<vmem>> -> memref<1x1x128xi32, #tpu.memory_space<vmem>>
      %dma_wait3A_516 = tpu.memref_squeeze %dma_wait3A_515 : memref<1x1x128xi32, #tpu.memory_space<vmem>> -> memref<128xi32, #tpu.memory_space<vmem>>
      %dma_wait3A_517 = tpu.memref_slice %arg3[%dma_wait3A_506, %mul3A_505] : memref<2x320000xi32, #tpu.memory_space<hbm>> -> memref<1x128xi32, #tpu.memory_space<hbm>>
      %dma_wait3A_518 = tpu.memref_squeeze %dma_wait3A_517 : memref<1x128xi32, #tpu.memory_space<hbm>> -> memref<128xi32, #tpu.memory_space<hbm>>
      tpu.wait_dma2 semaphore(%arg8 : memref<!tpu.dma_semaphore, #tpu.memory_space<semaphore_mem>>) src(%dma_wait3A_518 : memref<128xi32, #tpu.memory_space<hbm>>) dst(%dma_wait3A_516 : memref<128xi32, #tpu.memory_space<vmem>>)
      %mul3A_519 = arith.constant 32 : i32
      %mul3A_520 = arith.muli %mul3A_519, %add3A_500 : i32
      %add3A_521 = arith.addi %add3A, %mul3A_520 : i32
      %mul3A_522 = arith.constant 128 : i32
      %mul3A_523 = arith.muli %add3A_521, %mul3A_522 : i32
      %dma_wait3A_524 = arith.constant 1 : i32
      %dma_wait3A_525 = arith.constant 0 : i32
      %dma_wait3A_526 = arith.constant 1 : i32
      %dma_wait3A_527 = arith.constant 0 : i32
      %dma_wait3A_528 = tpu.memref_slice %arg5[%dma_wait3A_525, %dma_wait3A_526, %dma_wait3A_527] : memref<4x2x128xi32, #tpu.memory_space<vmem>> -> memref<1x1x128xi32, #tpu.memory_space<vmem>>
      %dma_wait3A_529 = tpu.memref_squeeze %dma_wait3A_528 : memref<1x1x128xi32, #tpu.memory_space<vmem>> -> memref<128xi32, #tpu.memory_space<vmem>>
      %dma_wait3A_530 = tpu.memref_slice %arg3[%dma_wait3A_524, %mul3A_523] : memref<2x320000xi32, #tpu.memory_space<hbm>> -> memref<1x128xi32, #tpu.memory_space<hbm>>
      %dma_wait3A_531 = tpu.memref_squeeze %dma_wait3A_530 : memref<1x128xi32, #tpu.memory_space<hbm>> -> memref<128xi32, #tpu.memory_space<hbm>>
      %dma_wait3A_532 = arith.constant 0 : i32
      %dma_wait3A_533 = tpu.memref_slice %arg5[%dma_wait3A_525, %dma_wait3A_526, %dma_wait3A_532] : memref<4x2x128xi32, #tpu.memory_space<vmem>> -> memref<1x1x128xi32, #tpu.memory_space<vmem>>
      %dma_wait3A_534 = tpu.memref_squeeze %dma_wait3A_533 : memref<1x1x128xi32, #tpu.memory_space<vmem>> -> memref<128xi32, #tpu.memory_space<vmem>>
      %dma_wait3A_535 = tpu.memref_slice %arg3[%dma_wait3A_524, %mul3A_523] : memref<2x320000xi32, #tpu.memory_space<hbm>> -> memref<1x128xi32, #tpu.memory_space<hbm>>
      %dma_wait3A_536 = tpu.memref_squeeze %dma_wait3A_535 : memref<1x128xi32, #tpu.memory_space<hbm>> -> memref<128xi32, #tpu.memory_space<hbm>>
      tpu.wait_dma2 semaphore(%arg8 : memref<!tpu.dma_semaphore, #tpu.memory_space<semaphore_mem>>) src(%dma_wait3A_536 : memref<128xi32, #tpu.memory_space<hbm>>) dst(%dma_wait3A_534 : memref<128xi32, #tpu.memory_space<vmem>>)
      %dma_start3A_537 = arith.constant 0 : i32
      %dma_start3A_538 = arith.constant 0 : i32
      %dma_start3A_539 = arith.constant 0 : i32
      %dma_start3A_540 = arith.constant 0 : i32
      %dma_start3A_541 = arith.constant 0 : i32
      %dma_start3A_542 = tpu.memref_slice %arg6[%dma_start3A_539, %dma_start3A_540, %dma_start3A_541] : memref<2x128x128xf32, #tpu.memory_space<vmem>> -> memref<1x128x128xf32, #tpu.memory_space<vmem>>
      %dma_start3A_543 = tpu.memref_squeeze %dma_start3A_542 : memref<1x128x128xf32, #tpu.memory_space<vmem>> -> memref<128x128xf32, #tpu.memory_space<vmem>>
      %dma_start3A_544 = arith.constant 0 : i32
      %dma_start3A_545 = tpu.memref_slice %arg5[%dma_start3A_537, %dma_start3A_538, %dma_start3A_544] : memref<4x2x128xi32, #tpu.memory_space<vmem>> -> memref<1x1x128xi32, #tpu.memory_space<vmem>>
      %dma_start3A_546 = tpu.memref_squeeze %dma_start3A_545 : memref<1x1x128xi32, #tpu.memory_space<vmem>> -> memref<128xi32, #tpu.memory_space<vmem>>
      %dma_start3A_547 = arith.constant 0 : i32
      %dma_start3A_548 = arith.constant 0 : i32
      %dma_start3A_549 = tpu.memref_slice %arg2[%dma_start3A_547, %dma_start3A_548] : memref<10000x128xf32, #tpu.memory_space<hbm>> -> memref<10000x128xf32, #tpu.memory_space<hbm>>
      tpu.enqueue_indirect_dma source(%dma_start3A_549 : memref<10000x128xf32, #tpu.memory_space<hbm>>) target(%dma_start3A_543 : memref<128x128xf32, #tpu.memory_space<vmem>>) offsets(%dma_start3A_546 : memref<128xi32, #tpu.memory_space<vmem>>) semaphore(%arg12 : memref<!tpu.dma_semaphore, #tpu.memory_space<semaphore_mem>>)
      %add3A_550 = arith.constant 3 : i32
      %add3A_551 = arith.addi %mul3A_312, %add3A_550 : i32
      %dma_wait3A_552 = arith.constant 3 : i32
      %dma_wait3A_553 = arith.constant 0 : i32
      %dma_wait3A_554 = arith.constant 1 : i32
      %dma_wait3A_555 = arith.constant 0 : i32
      %dma_wait3A_556 = arith.constant 0 : i32
      %dma_wait3A_557 = tpu.memref_slice %arg6[%dma_wait3A_554, %dma_wait3A_555, %dma_wait3A_556] : memref<2x128x128xf32, #tpu.memory_space<vmem>> -> memref<1x128x128xf32, #tpu.memory_space<vmem>>
      %dma_wait3A_558 = tpu.memref_squeeze %dma_wait3A_557 : memref<1x128x128xf32, #tpu.memory_space<vmem>> -> memref<128x128xf32, #tpu.memory_space<vmem>>
      %dma_wait3A_559 = arith.constant 0 : i32
      %dma_wait3A_560 = tpu.memref_slice %arg5[%dma_wait3A_552, %dma_wait3A_553, %dma_wait3A_559] : memref<4x2x128xi32, #tpu.memory_space<vmem>> -> memref<1x1x128xi32, #tpu.memory_space<vmem>>
      %dma_wait3A_561 = tpu.memref_squeeze %dma_wait3A_560 : memref<1x1x128xi32, #tpu.memory_space<vmem>> -> memref<128xi32, #tpu.memory_space<vmem>>
      %dma_wait3A_562 = arith.constant 0 : i32
      %dma_wait3A_563 = arith.constant 0 : i32
      %dma_wait3A_564 = tpu.memref_slice %arg2[%dma_wait3A_562, %dma_wait3A_563] : memref<10000x128xf32, #tpu.memory_space<hbm>> -> memref<10000x128xf32, #tpu.memory_space<hbm>>
      tpu.wait_indirect_dma semaphore(%arg13 : memref<!tpu.dma_semaphore, #tpu.memory_space<semaphore_mem>>) src(%dma_wait3A_564 : memref<10000x128xf32, #tpu.memory_space<hbm>>) dst(%dma_wait3A_558 : memref<128x128xf32, #tpu.memory_space<vmem>>)
      %run_scoped3A_565 = arith.constant 1 : i32
      %run_scoped3A_566 = arith.constant 3 : i32
      %run_scoped3A_567 = arith.constant 1 : i32
      "tpu.region"() ({
        %run_scoped3A_630 = tpu.sem_alloc : memref<!tpu.dma_semaphore, #tpu.memory_space<semaphore_mem>>
        %dma_start3A_631 = arith.constant 0 : i32
        %dma_start3A_632 = arith.constant 0 : i32
        %dma_start3A_633 = tpu.memref_slice %arg6[%run_scoped3A_565, %dma_start3A_631, %dma_start3A_632] : memref<2x128x128xf32, #tpu.memory_space<vmem>> -> memref<1x128x128xf32, #tpu.memory_space<vmem>>
        %dma_start3A_634 = tpu.memref_squeeze %dma_start3A_633 : memref<1x128x128xf32, #tpu.memory_space<vmem>> -> memref<128x128xf32, #tpu.memory_space<vmem>>
        %dma_start3A_635 = arith.constant 0 : i32
        %dma_start3A_636 = tpu.memref_slice %arg5[%run_scoped3A_566, %run_scoped3A_567, %dma_start3A_635] : memref<4x2x128xi32, #tpu.memory_space<vmem>> -> memref<1x1x128xi32, #tpu.memory_space<vmem>>
        %dma_start3A_637 = tpu.memref_squeeze %dma_start3A_636 : memref<1x1x128xi32, #tpu.memory_space<vmem>> -> memref<128xi32, #tpu.memory_space<vmem>>
        %dma_start3A_638 = arith.constant 0 : i32
        %dma_start3A_639 = arith.constant 0 : i32
        %dma_start3A_640 = tpu.memref_slice %arg7[%dma_start3A_638, %dma_start3A_639] : memref<10240x128xf32, #tpu.memory_space<vmem_shared>> -> memref<10240x128xf32, #tpu.memory_space<vmem_shared>>
        tpu.enqueue_indirect_dma source(%dma_start3A_634 : memref<128x128xf32, #tpu.memory_space<vmem>>) target(%dma_start3A_640 : memref<10240x128xf32, #tpu.memory_space<vmem_shared>>) offsets(%dma_start3A_637 : memref<128xi32, #tpu.memory_space<vmem>>) semaphore(%run_scoped3A_630 : memref<!tpu.dma_semaphore, #tpu.memory_space<semaphore_mem>>) {add = true}
        %dma_wait3A_641 = arith.constant 0 : i32
        %dma_wait3A_642 = arith.constant 0 : i32
        %dma_wait3A_643 = tpu.memref_slice %arg6[%run_scoped3A_565, %dma_wait3A_641, %dma_wait3A_642] : memref<2x128x128xf32, #tpu.memory_space<vmem>> -> memref<1x128x128xf32, #tpu.memory_space<vmem>>
        %dma_wait3A_644 = tpu.memref_squeeze %dma_wait3A_643 : memref<1x128x128xf32, #tpu.memory_space<vmem>> -> memref<128x128xf32, #tpu.memory_space<vmem>>
        %dma_wait3A_645 = arith.constant 0 : i32
        %dma_wait3A_646 = tpu.memref_slice %arg5[%run_scoped3A_566, %run_scoped3A_567, %dma_wait3A_645] : memref<4x2x128xi32, #tpu.memory_space<vmem>> -> memref<1x1x128xi32, #tpu.memory_space<vmem>>
        %dma_wait3A_647 = tpu.memref_squeeze %dma_wait3A_646 : memref<1x1x128xi32, #tpu.memory_space<vmem>> -> memref<128xi32, #tpu.memory_space<vmem>>
        %dma_wait3A_648 = arith.constant 0 : i32
        %dma_wait3A_649 = arith.constant 0 : i32
        %dma_wait3A_650 = tpu.memref_slice %arg7[%dma_wait3A_648, %dma_wait3A_649] : memref<10240x128xf32, #tpu.memory_space<vmem_shared>> -> memref<10240x128xf32, #tpu.memory_space<vmem_shared>>
        tpu.wait_indirect_dma semaphore(%run_scoped3A_630 : memref<!tpu.dma_semaphore, #tpu.memory_space<semaphore_mem>>) src(%dma_wait3A_644 : memref<128x128xf32, #tpu.memory_space<vmem>>) dst(%dma_wait3A_650 : memref<10240x128xf32, #tpu.memory_space<vmem_shared>>)
        tpu.yield
      }) : () -> ()
      %add3A_568 = arith.constant 4 : i32
      %add3A_569 = arith.addi %add3A_551, %add3A_568 : i32
      %mul3A_570 = arith.constant 32 : i32
      %mul3A_571 = arith.muli %mul3A_570, %add3A_569 : i32
      %add3A_572 = arith.addi %add3A, %mul3A_571 : i32
      %lt3A_573 = arith.constant 2500 : i32
      %lt3A_574 = arith.cmpi slt, %add3A_572, %lt3A_573 : i32
      %convert_element_type3A_575 = arith.extui %lt3A_574 : i1 to i32
      %cond3A_576 = arith.constant 0 : i32
      %cond3A_577 = arith.cmpi ne, %convert_element_type3A_575, %cond3A_576 : i32
      scf.if %cond3A_577 {
        %add3A_630 = arith.constant 4 : i32
        %add3A_631 = arith.addi %add3A_551, %add3A_630 : i32
        %mul3A_632 = arith.constant 32 : i32
        %mul3A_633 = arith.muli %mul3A_632, %add3A_631 : i32
        %add3A_634 = arith.addi %add3A, %mul3A_633 : i32
        %mul3A_635 = arith.constant 128 : i32
        %mul3A_636 = arith.muli %add3A_634, %mul3A_635 : i32
        %dma_start3A_637 = arith.constant 0 : i32
        %dma_start3A_638 = arith.constant 3 : i32
        %dma_start3A_639 = arith.constant 0 : i32
        %dma_start3A_640 = arith.constant 0 : i32
        %dma_start3A_641 = tpu.memref_slice %arg5[%dma_start3A_638, %dma_start3A_639, %dma_start3A_640] : memref<4x2x128xi32, #tpu.memory_space<vmem>> -> memref<1x1x128xi32, #tpu.memory_space<vmem>>
        %dma_start3A_642 = tpu.memref_squeeze %dma_start3A_641 : memref<1x1x128xi32, #tpu.memory_space<vmem>> -> memref<128xi32, #tpu.memory_space<vmem>>
        %dma_start3A_643 = tpu.memref_slice %arg3[%dma_start3A_637, %mul3A_636] : memref<2x320000xi32, #tpu.memory_space<hbm>> -> memref<1x128xi32, #tpu.memory_space<hbm>>
        %dma_start3A_644 = tpu.memref_squeeze %dma_start3A_643 : memref<1x128xi32, #tpu.memory_space<hbm>> -> memref<128xi32, #tpu.memory_space<hbm>>
        %dma_start3A_645 = arith.constant 0 : i32
        %dma_start3A_646 = tpu.memref_slice %arg5[%dma_start3A_638, %dma_start3A_639, %dma_start3A_645] : memref<4x2x128xi32, #tpu.memory_space<vmem>> -> memref<1x1x128xi32, #tpu.memory_space<vmem>>
        %dma_start3A_647 = tpu.memref_squeeze %dma_start3A_646 : memref<1x1x128xi32, #tpu.memory_space<vmem>> -> memref<128xi32, #tpu.memory_space<vmem>>
        %dma_start3A_648 = tpu.memref_slice %arg3[%dma_start3A_637, %mul3A_636] : memref<2x320000xi32, #tpu.memory_space<hbm>> -> memref<1x128xi32, #tpu.memory_space<hbm>>
        %dma_start3A_649 = tpu.memref_squeeze %dma_start3A_648 : memref<1x128xi32, #tpu.memory_space<hbm>> -> memref<128xi32, #tpu.memory_space<hbm>>
        tpu.enqueue_dma source(%dma_start3A_649 : memref<128xi32, #tpu.memory_space<hbm>>) target(%dma_start3A_647 : memref<128xi32, #tpu.memory_space<vmem>>) target_semaphore(%arg11 : memref<!tpu.dma_semaphore, #tpu.memory_space<semaphore_mem>>)
        %mul3A_650 = arith.constant 32 : i32
        %mul3A_651 = arith.muli %mul3A_650, %add3A_631 : i32
        %add3A_652 = arith.addi %add3A, %mul3A_651 : i32
        %mul3A_653 = arith.constant 128 : i32
        %mul3A_654 = arith.muli %add3A_652, %mul3A_653 : i32
        %dma_start3A_655 = arith.constant 1 : i32
        %dma_start3A_656 = arith.constant 3 : i32
        %dma_start3A_657 = arith.constant 1 : i32
        %dma_start3A_658 = arith.constant 0 : i32
        %dma_start3A_659 = tpu.memref_slice %arg5[%dma_start3A_656, %dma_start3A_657, %dma_start3A_658] : memref<4x2x128xi32, #tpu.memory_space<vmem>> -> memref<1x1x128xi32, #tpu.memory_space<vmem>>
        %dma_start3A_660 = tpu.memref_squeeze %dma_start3A_659 : memref<1x1x128xi32, #tpu.memory_space<vmem>> -> memref<128xi32, #tpu.memory_space<vmem>>
        %dma_start3A_661 = tpu.memref_slice %arg3[%dma_start3A_655, %mul3A_654] : memref<2x320000xi32, #tpu.memory_space<hbm>> -> memref<1x128xi32, #tpu.memory_space<hbm>>
        %dma_start3A_662 = tpu.memref_squeeze %dma_start3A_661 : memref<1x128xi32, #tpu.memory_space<hbm>> -> memref<128xi32, #tpu.memory_space<hbm>>
        %dma_start3A_663 = arith.constant 0 : i32
        %dma_start3A_664 = tpu.memref_slice %arg5[%dma_start3A_656, %dma_start3A_657, %dma_start3A_663] : memref<4x2x128xi32, #tpu.memory_space<vmem>> -> memref<1x1x128xi32, #tpu.memory_space<vmem>>
        %dma_start3A_665 = tpu.memref_squeeze %dma_start3A_664 : memref<1x1x128xi32, #tpu.memory_space<vmem>> -> memref<128xi32, #tpu.memory_space<vmem>>
        %dma_start3A_666 = tpu.memref_slice %arg3[%dma_start3A_655, %mul3A_654] : memref<2x320000xi32, #tpu.memory_space<hbm>> -> memref<1x128xi32, #tpu.memory_space<hbm>>
        %dma_start3A_667 = tpu.memref_squeeze %dma_start3A_666 : memref<1x128xi32, #tpu.memory_space<hbm>> -> memref<128xi32, #tpu.memory_space<hbm>>
        tpu.enqueue_dma source(%dma_start3A_667 : memref<128xi32, #tpu.memory_space<hbm>>) target(%dma_start3A_665 : memref<128xi32, #tpu.memory_space<vmem>>) target_semaphore(%arg11 : memref<!tpu.dma_semaphore, #tpu.memory_space<semaphore_mem>>)
      } else {
      }
      %add3A_578 = arith.constant 2 : i32
      %add3A_579 = arith.addi %add3A_551, %add3A_578 : i32
      %mul3A_580 = arith.constant 32 : i32
      %mul3A_581 = arith.muli %mul3A_580, %add3A_579 : i32
      %add3A_582 = arith.addi %add3A, %mul3A_581 : i32
      %mul3A_583 = arith.constant 128 : i32
      %mul3A_584 = arith.muli %add3A_582, %mul3A_583 : i32
      %dma_wait3A_585 = arith.constant 0 : i32
      %dma_wait3A_586 = arith.constant 1 : i32
      %dma_wait3A_587 = arith.constant 0 : i32
      %dma_wait3A_588 = arith.constant 0 : i32
      %dma_wait3A_589 = tpu.memref_slice %arg5[%dma_wait3A_586, %dma_wait3A_587, %dma_wait3A_588] : memref<4x2x128xi32, #tpu.memory_space<vmem>> -> memref<1x1x128xi32, #tpu.memory_space<vmem>>
      %dma_wait3A_590 = tpu.memref_squeeze %dma_wait3A_589 : memref<1x1x128xi32, #tpu.memory_space<vmem>> -> memref<128xi32, #tpu.memory_space<vmem>>
      %dma_wait3A_591 = tpu.memref_slice %arg3[%dma_wait3A_585, %mul3A_584] : memref<2x320000xi32, #tpu.memory_space<hbm>> -> memref<1x128xi32, #tpu.memory_space<hbm>>
      %dma_wait3A_592 = tpu.memref_squeeze %dma_wait3A_591 : memref<1x128xi32, #tpu.memory_space<hbm>> -> memref<128xi32, #tpu.memory_space<hbm>>
      %dma_wait3A_593 = arith.constant 0 : i32
      %dma_wait3A_594 = tpu.memref_slice %arg5[%dma_wait3A_586, %dma_wait3A_587, %dma_wait3A_593] : memref<4x2x128xi32, #tpu.memory_space<vmem>> -> memref<1x1x128xi32, #tpu.memory_space<vmem>>
      %dma_wait3A_595 = tpu.memref_squeeze %dma_wait3A_594 : memref<1x1x128xi32, #tpu.memory_space<vmem>> -> memref<128xi32, #tpu.memory_space<vmem>>
      %dma_wait3A_596 = tpu.memref_slice %arg3[%dma_wait3A_585, %mul3A_584] : memref<2x320000xi32, #tpu.memory_space<hbm>> -> memref<1x128xi32, #tpu.memory_space<hbm>>
      %dma_wait3A_597 = tpu.memref_squeeze %dma_wait3A_596 : memref<1x128xi32, #tpu.memory_space<hbm>> -> memref<128xi32, #tpu.memory_space<hbm>>
      tpu.wait_dma2 semaphore(%arg9 : memref<!tpu.dma_semaphore, #tpu.memory_space<semaphore_mem>>) src(%dma_wait3A_597 : memref<128xi32, #tpu.memory_space<hbm>>) dst(%dma_wait3A_595 : memref<128xi32, #tpu.memory_space<vmem>>)
      %mul3A_598 = arith.constant 32 : i32
      %mul3A_599 = arith.muli %mul3A_598, %add3A_579 : i32
      %add3A_600 = arith.addi %add3A, %mul3A_599 : i32
      %mul3A_601 = arith.constant 128 : i32
      %mul3A_602 = arith.muli %add3A_600, %mul3A_601 : i32
      %dma_wait3A_603 = arith.constant 1 : i32
      %dma_wait3A_604 = arith.constant 1 : i32
      %dma_wait3A_605 = arith.constant 1 : i32
      %dma_wait3A_606 = arith.constant 0 : i32
      %dma_wait3A_607 = tpu.memref_slice %arg5[%dma_wait3A_604, %dma_wait3A_605, %dma_wait3A_606] : memref<4x2x128xi32, #tpu.memory_space<vmem>> -> memref<1x1x128xi32, #tpu.memory_space<vmem>>
      %dma_wait3A_608 = tpu.memref_squeeze %dma_wait3A_607 : memref<1x1x128xi32, #tpu.memory_space<vmem>> -> memref<128xi32, #tpu.memory_space<vmem>>
      %dma_wait3A_609 = tpu.memref_slice %arg3[%dma_wait3A_603, %mul3A_602] : memref<2x320000xi32, #tpu.memory_space<hbm>> -> memref<1x128xi32, #tpu.memory_space<hbm>>
      %dma_wait3A_610 = tpu.memref_squeeze %dma_wait3A_609 : memref<1x128xi32, #tpu.memory_space<hbm>> -> memref<128xi32, #tpu.memory_space<hbm>>
      %dma_wait3A_611 = arith.constant 0 : i32
      %dma_wait3A_612 = tpu.memref_slice %arg5[%dma_wait3A_604, %dma_wait3A_605, %dma_wait3A_611] : memref<4x2x128xi32, #tpu.memory_space<vmem>> -> memref<1x1x128xi32, #tpu.memory_space<vmem>>
      %dma_wait3A_613 = tpu.memref_squeeze %dma_wait3A_612 : memref<1x1x128xi32, #tpu.memory_space<vmem>> -> memref<128xi32, #tpu.memory_space<vmem>>
      %dma_wait3A_614 = tpu.memref_slice %arg3[%dma_wait3A_603, %mul3A_602] : memref<2x320000xi32, #tpu.memory_space<hbm>> -> memref<1x128xi32, #tpu.memory_space<hbm>>
      %dma_wait3A_615 = tpu.memref_squeeze %dma_wait3A_614 : memref<1x128xi32, #tpu.memory_space<hbm>> -> memref<128xi32, #tpu.memory_space<hbm>>
      tpu.wait_dma2 semaphore(%arg9 : memref<!tpu.dma_semaphore, #tpu.memory_space<semaphore_mem>>) src(%dma_wait3A_615 : memref<128xi32, #tpu.memory_space<hbm>>) dst(%dma_wait3A_613 : memref<128xi32, #tpu.memory_space<vmem>>)
      %dma_start3A_616 = arith.constant 1 : i32
      %dma_start3A_617 = arith.constant 0 : i32
      %dma_start3A_618 = arith.constant 1 : i32
      %dma_start3A_619 = arith.constant 0 : i32
      %dma_start3A_620 = arith.constant 0 : i32
      %dma_start3A_621 = tpu.memref_slice %arg6[%dma_start3A_618, %dma_start3A_619, %dma_start3A_620] : memref<2x128x128xf32, #tpu.memory_space<vmem>> -> memref<1x128x128xf32, #tpu.memory_space<vmem>>
      %dma_start3A_622 = tpu.memref_squeeze %dma_start3A_621 : memref<1x128x128xf32, #tpu.memory_space<vmem>> -> memref<128x128xf32, #tpu.memory_space<vmem>>
      %dma_start3A_623 = arith.constant 0 : i32
      %dma_start3A_624 = tpu.memref_slice %arg5[%dma_start3A_616, %dma_start3A_617, %dma_start3A_623] : memref<4x2x128xi32, #tpu.memory_space<vmem>> -> memref<1x1x128xi32, #tpu.memory_space<vmem>>
      %dma_start3A_625 = tpu.memref_squeeze %dma_start3A_624 : memref<1x1x128xi32, #tpu.memory_space<vmem>> -> memref<128xi32, #tpu.memory_space<vmem>>
      %dma_start3A_626 = arith.constant 0 : i32
      %dma_start3A_627 = arith.constant 0 : i32
      %dma_start3A_628 = tpu.memref_slice %arg2[%dma_start3A_626, %dma_start3A_627] : memref<10000x128xf32, #tpu.memory_space<hbm>> -> memref<10000x128xf32, #tpu.memory_space<hbm>>
      tpu.enqueue_indirect_dma source(%dma_start3A_628 : memref<10000x128xf32, #tpu.memory_space<hbm>>) target(%dma_start3A_622 : memref<128x128xf32, #tpu.memory_space<vmem>>) offsets(%dma_start3A_625 : memref<128xi32, #tpu.memory_space<vmem>>) semaphore(%arg13 : memref<!tpu.dma_semaphore, #tpu.memory_space<semaphore_mem>>)
      %scan3A_629 = arith.constant 0 : i32
      scf.yield %scan3A_629 : i32
    }
    %scan3A_249 = arith.constant 19 : i32
    %dma_wait3A_250 = arith.constant 0 : i32
    %dma_wait3A_251 = arith.constant 0 : i32
    %dma_wait3A_252 = arith.constant 0 : i32
    %dma_wait3A_253 = arith.constant 0 : i32
    %dma_wait3A_254 = arith.constant 0 : i32
    %dma_wait3A_255 = tpu.memref_slice %arg6[%dma_wait3A_252, %dma_wait3A_253, %dma_wait3A_254] : memref<2x128x128xf32, #tpu.memory_space<vmem>> -> memref<1x128x128xf32, #tpu.memory_space<vmem>>
    %dma_wait3A_256 = tpu.memref_squeeze %dma_wait3A_255 : memref<1x128x128xf32, #tpu.memory_space<vmem>> -> memref<128x128xf32, #tpu.memory_space<vmem>>
    %dma_wait3A_257 = arith.constant 0 : i32
    %dma_wait3A_258 = tpu.memref_slice %arg5[%dma_wait3A_250, %dma_wait3A_251, %dma_wait3A_257] : memref<4x2x128xi32, #tpu.memory_space<vmem>> -> memref<1x1x128xi32, #tpu.memory_space<vmem>>
    %dma_wait3A_259 = tpu.memref_squeeze %dma_wait3A_258 : memref<1x1x128xi32, #tpu.memory_space<vmem>> -> memref<128xi32, #tpu.memory_space<vmem>>
    %dma_wait3A_260 = arith.constant 0 : i32
    %dma_wait3A_261 = arith.constant 0 : i32
    %dma_wait3A_262 = tpu.memref_slice %arg2[%dma_wait3A_260, %dma_wait3A_261] : memref<10000x128xf32, #tpu.memory_space<hbm>> -> memref<10000x128xf32, #tpu.memory_space<hbm>>
    tpu.wait_indirect_dma semaphore(%arg12 : memref<!tpu.dma_semaphore, #tpu.memory_space<semaphore_mem>>) src(%dma_wait3A_262 : memref<10000x128xf32, #tpu.memory_space<hbm>>) dst(%dma_wait3A_256 : memref<128x128xf32, #tpu.memory_space<vmem>>)
    %run_scoped3A = arith.constant 0 : i32
    %run_scoped3A_263 = arith.constant 0 : i32
    %run_scoped3A_264 = arith.constant 1 : i32
    "tpu.region"() ({
      %run_scoped3A_309 = tpu.sem_alloc : memref<!tpu.dma_semaphore, #tpu.memory_space<semaphore_mem>>
      %dma_start3A_310 = arith.constant 0 : i32
      %dma_start3A_311 = arith.constant 0 : i32
      %dma_start3A_312 = tpu.memref_slice %arg6[%run_scoped3A, %dma_start3A_310, %dma_start3A_311] : memref<2x128x128xf32, #tpu.memory_space<vmem>> -> memref<1x128x128xf32, #tpu.memory_space<vmem>>
      %dma_start3A_313 = tpu.memref_squeeze %dma_start3A_312 : memref<1x128x128xf32, #tpu.memory_space<vmem>> -> memref<128x128xf32, #tpu.memory_space<vmem>>
      %dma_start3A_314 = arith.constant 0 : i32
      %dma_start3A_315 = tpu.memref_slice %arg5[%run_scoped3A_263, %run_scoped3A_264, %dma_start3A_314] : memref<4x2x128xi32, #tpu.memory_space<vmem>> -> memref<1x1x128xi32, #tpu.memory_space<vmem>>
      %dma_start3A_316 = tpu.memref_squeeze %dma_start3A_315 : memref<1x1x128xi32, #tpu.memory_space<vmem>> -> memref<128xi32, #tpu.memory_space<vmem>>
      %dma_start3A_317 = arith.constant 0 : i32
      %dma_start3A_318 = arith.constant 0 : i32
      %dma_start3A_319 = tpu.memref_slice %arg7[%dma_start3A_317, %dma_start3A_318] : memref<10240x128xf32, #tpu.memory_space<vmem_shared>> -> memref<10240x128xf32, #tpu.memory_space<vmem_shared>>
      tpu.enqueue_indirect_dma source(%dma_start3A_313 : memref<128x128xf32, #tpu.memory_space<vmem>>) target(%dma_start3A_319 : memref<10240x128xf32, #tpu.memory_space<vmem_shared>>) offsets(%dma_start3A_316 : memref<128xi32, #tpu.memory_space<vmem>>) semaphore(%run_scoped3A_309 : memref<!tpu.dma_semaphore, #tpu.memory_space<semaphore_mem>>) {add = true}
      %dma_wait3A_320 = arith.constant 0 : i32
      %dma_wait3A_321 = arith.constant 0 : i32
      %dma_wait3A_322 = tpu.memref_slice %arg6[%run_scoped3A, %dma_wait3A_320, %dma_wait3A_321] : memref<2x128x128xf32, #tpu.memory_space<vmem>> -> memref<1x128x128xf32, #tpu.memory_space<vmem>>
      %dma_wait3A_323 = tpu.memref_squeeze %dma_wait3A_322 : memref<1x128x128xf32, #tpu.memory_space<vmem>> -> memref<128x128xf32, #tpu.memory_space<vmem>>
      %dma_wait3A_324 = arith.constant 0 : i32
      %dma_wait3A_325 = tpu.memref_slice %arg5[%run_scoped3A_263, %run_scoped3A_264, %dma_wait3A_324] : memref<4x2x128xi32, #tpu.memory_space<vmem>> -> memref<1x1x128xi32, #tpu.memory_space<vmem>>
      %dma_wait3A_326 = tpu.memref_squeeze %dma_wait3A_325 : memref<1x1x128xi32, #tpu.memory_space<vmem>> -> memref<128xi32, #tpu.memory_space<vmem>>
      %dma_wait3A_327 = arith.constant 0 : i32
      %dma_wait3A_328 = arith.constant 0 : i32
      %dma_wait3A_329 = tpu.memref_slice %arg7[%dma_wait3A_327, %dma_wait3A_328] : memref<10240x128xf32, #tpu.memory_space<vmem_shared>> -> memref<10240x128xf32, #tpu.memory_space<vmem_shared>>
      tpu.wait_indirect_dma semaphore(%run_scoped3A_309 : memref<!tpu.dma_semaphore, #tpu.memory_space<semaphore_mem>>) src(%dma_wait3A_323 : memref<128x128xf32, #tpu.memory_space<vmem>>) dst(%dma_wait3A_329 : memref<10240x128xf32, #tpu.memory_space<vmem_shared>>)
      tpu.yield
    }) : () -> ()
    %dma_wait3A_265 = arith.constant 1 : i32
    %dma_wait3A_266 = arith.constant 0 : i32
    %dma_wait3A_267 = arith.constant 1 : i32
    %dma_wait3A_268 = arith.constant 0 : i32
    %dma_wait3A_269 = arith.constant 0 : i32
    %dma_wait3A_270 = tpu.memref_slice %arg6[%dma_wait3A_267, %dma_wait3A_268, %dma_wait3A_269] : memref<2x128x128xf32, #tpu.memory_space<vmem>> -> memref<1x128x128xf32, #tpu.memory_space<vmem>>
    %dma_wait3A_271 = tpu.memref_squeeze %dma_wait3A_270 : memref<1x128x128xf32, #tpu.memory_space<vmem>> -> memref<128x128xf32, #tpu.memory_space<vmem>>
    %dma_wait3A_272 = arith.constant 0 : i32
    %dma_wait3A_273 = tpu.memref_slice %arg5[%dma_wait3A_265, %dma_wait3A_266, %dma_wait3A_272] : memref<4x2x128xi32, #tpu.memory_space<vmem>> -> memref<1x1x128xi32, #tpu.memory_space<vmem>>
    %dma_wait3A_274 = tpu.memref_squeeze %dma_wait3A_273 : memref<1x1x128xi32, #tpu.memory_space<vmem>> -> memref<128xi32, #tpu.memory_space<vmem>>
    %dma_wait3A_275 = arith.constant 0 : i32
    %dma_wait3A_276 = arith.constant 0 : i32
    %dma_wait3A_277 = tpu.memref_slice %arg2[%dma_wait3A_275, %dma_wait3A_276] : memref<10000x128xf32, #tpu.memory_space<hbm>> -> memref<10000x128xf32, #tpu.memory_space<hbm>>
    tpu.wait_indirect_dma semaphore(%arg13 : memref<!tpu.dma_semaphore, #tpu.memory_space<semaphore_mem>>) src(%dma_wait3A_277 : memref<10000x128xf32, #tpu.memory_space<hbm>>) dst(%dma_wait3A_271 : memref<128x128xf32, #tpu.memory_space<vmem>>)
    %run_scoped3A_278 = arith.constant 1 : i32
    %run_scoped3A_279 = arith.constant 1 : i32
    %run_scoped3A_280 = arith.constant 1 : i32
    "tpu.region"() ({
      %run_scoped3A_309 = tpu.sem_alloc : memref<!tpu.dma_semaphore, #tpu.memory_space<semaphore_mem>>
      %dma_start3A_310 = arith.constant 0 : i32
      %dma_start3A_311 = arith.constant 0 : i32
      %dma_start3A_312 = tpu.memref_slice %arg6[%run_scoped3A_278, %dma_start3A_310, %dma_start3A_311] : memref<2x128x128xf32, #tpu.memory_space<vmem>> -> memref<1x128x128xf32, #tpu.memory_space<vmem>>
      %dma_start3A_313 = tpu.memref_squeeze %dma_start3A_312 : memref<1x128x128xf32, #tpu.memory_space<vmem>> -> memref<128x128xf32, #tpu.memory_space<vmem>>
      %dma_start3A_314 = arith.constant 0 : i32
      %dma_start3A_315 = tpu.memref_slice %arg5[%run_scoped3A_279, %run_scoped3A_280, %dma_start3A_314] : memref<4x2x128xi32, #tpu.memory_space<vmem>> -> memref<1x1x128xi32, #tpu.memory_space<vmem>>
      %dma_start3A_316 = tpu.memref_squeeze %dma_start3A_315 : memref<1x1x128xi32, #tpu.memory_space<vmem>> -> memref<128xi32, #tpu.memory_space<vmem>>
      %dma_start3A_317 = arith.constant 0 : i32
      %dma_start3A_318 = arith.constant 0 : i32
      %dma_start3A_319 = tpu.memref_slice %arg7[%dma_start3A_317, %dma_start3A_318] : memref<10240x128xf32, #tpu.memory_space<vmem_shared>> -> memref<10240x128xf32, #tpu.memory_space<vmem_shared>>
      tpu.enqueue_indirect_dma source(%dma_start3A_313 : memref<128x128xf32, #tpu.memory_space<vmem>>) target(%dma_start3A_319 : memref<10240x128xf32, #tpu.memory_space<vmem_shared>>) offsets(%dma_start3A_316 : memref<128xi32, #tpu.memory_space<vmem>>) semaphore(%run_scoped3A_309 : memref<!tpu.dma_semaphore, #tpu.memory_space<semaphore_mem>>) {add = true}
      %dma_wait3A_320 = arith.constant 0 : i32
      %dma_wait3A_321 = arith.constant 0 : i32
      %dma_wait3A_322 = tpu.memref_slice %arg6[%run_scoped3A_278, %dma_wait3A_320, %dma_wait3A_321] : memref<2x128x128xf32, #tpu.memory_space<vmem>> -> memref<1x128x128xf32, #tpu.memory_space<vmem>>
      %dma_wait3A_323 = tpu.memref_squeeze %dma_wait3A_322 : memref<1x128x128xf32, #tpu.memory_space<vmem>> -> memref<128x128xf32, #tpu.memory_space<vmem>>
      %dma_wait3A_324 = arith.constant 0 : i32
      %dma_wait3A_325 = tpu.memref_slice %arg5[%run_scoped3A_279, %run_scoped3A_280, %dma_wait3A_324] : memref<4x2x128xi32, #tpu.memory_space<vmem>> -> memref<1x1x128xi32, #tpu.memory_space<vmem>>
      %dma_wait3A_326 = tpu.memref_squeeze %dma_wait3A_325 : memref<1x1x128xi32, #tpu.memory_space<vmem>> -> memref<128xi32, #tpu.memory_space<vmem>>
      %dma_wait3A_327 = arith.constant 0 : i32
      %dma_wait3A_328 = arith.constant 0 : i32
      %dma_wait3A_329 = tpu.memref_slice %arg7[%dma_wait3A_327, %dma_wait3A_328] : memref<10240x128xf32, #tpu.memory_space<vmem_shared>> -> memref<10240x128xf32, #tpu.memory_space<vmem_shared>>
      tpu.wait_indirect_dma semaphore(%run_scoped3A_309 : memref<!tpu.dma_semaphore, #tpu.memory_space<semaphore_mem>>) src(%dma_wait3A_323 : memref<128x128xf32, #tpu.memory_space<vmem>>) dst(%dma_wait3A_329 : memref<10240x128xf32, #tpu.memory_space<vmem_shared>>)
      tpu.yield
    }) : () -> ()
    %add3A_281 = arith.constant 2496 : i32
    %add3A_282 = arith.addi %add3A, %add3A_281 : i32
    %lt3A = arith.constant 2500 : i32
    %lt3A_283 = arith.cmpi slt, %add3A_282, %lt3A : i32
    %convert_element_type3A = arith.extui %lt3A_283 : i1 to i32
    %cond3A = arith.constant 0 : i32
    %cond3A_284 = arith.cmpi ne, %convert_element_type3A, %cond3A : i32
    scf.if %cond3A_284 {
      %add3A_309 = arith.constant 2496 : i32
      %add3A_310 = arith.addi %add3A, %add3A_309 : i32
      %mul3A_311 = arith.constant 128 : i32
      %mul3A_312 = arith.muli %add3A_310, %mul3A_311 : i32
      %dma_wait3A_313 = arith.constant 0 : i32
      %dma_wait3A_314 = arith.constant 2 : i32
      %dma_wait3A_315 = arith.constant 0 : i32
      %dma_wait3A_316 = arith.constant 0 : i32
      %dma_wait3A_317 = tpu.memref_slice %arg5[%dma_wait3A_314, %dma_wait3A_315, %dma_wait3A_316] : memref<4x2x128xi32, #tpu.memory_space<vmem>> -> memref<1x1x128xi32, #tpu.memory_space<vmem>>
      %dma_wait3A_318 = tpu.memref_squeeze %dma_wait3A_317 : memref<1x1x128xi32, #tpu.memory_space<vmem>> -> memref<128xi32, #tpu.memory_space<vmem>>
      %dma_wait3A_319 = tpu.memref_slice %arg3[%dma_wait3A_313, %mul3A_312] : memref<2x320000xi32, #tpu.memory_space<hbm>> -> memref<1x128xi32, #tpu.memory_space<hbm>>
      %dma_wait3A_320 = tpu.memref_squeeze %dma_wait3A_319 : memref<1x128xi32, #tpu.memory_space<hbm>> -> memref<128xi32, #tpu.memory_space<hbm>>
      %dma_wait3A_321 = arith.constant 0 : i32
      %dma_wait3A_322 = tpu.memref_slice %arg5[%dma_wait3A_314, %dma_wait3A_315, %dma_wait3A_321] : memref<4x2x128xi32, #tpu.memory_space<vmem>> -> memref<1x1x128xi32, #tpu.memory_space<vmem>>
      %dma_wait3A_323 = tpu.memref_squeeze %dma_wait3A_322 : memref<1x1x128xi32, #tpu.memory_space<vmem>> -> memref<128xi32, #tpu.memory_space<vmem>>
      %dma_wait3A_324 = tpu.memref_slice %arg3[%dma_wait3A_313, %mul3A_312] : memref<2x320000xi32, #tpu.memory_space<hbm>> -> memref<1x128xi32, #tpu.memory_space<hbm>>
      %dma_wait3A_325 = tpu.memref_squeeze %dma_wait3A_324 : memref<1x128xi32, #tpu.memory_space<hbm>> -> memref<128xi32, #tpu.memory_space<hbm>>
      tpu.wait_dma2 semaphore(%arg10 : memref<!tpu.dma_semaphore, #tpu.memory_space<semaphore_mem>>) src(%dma_wait3A_325 : memref<128xi32, #tpu.memory_space<hbm>>) dst(%dma_wait3A_323 : memref<128xi32, #tpu.memory_space<vmem>>)
      %add3A_326 = arith.constant 2496 : i32
      %add3A_327 = arith.addi %add3A, %add3A_326 : i32
      %mul3A_328 = arith.constant 128 : i32
      %mul3A_329 = arith.muli %add3A_327, %mul3A_328 : i32
      %dma_wait3A_330 = arith.constant 1 : i32
      %dma_wait3A_331 = arith.constant 2 : i32
      %dma_wait3A_332 = arith.constant 1 : i32
      %dma_wait3A_333 = arith.constant 0 : i32
      %dma_wait3A_334 = tpu.memref_slice %arg5[%dma_wait3A_331, %dma_wait3A_332, %dma_wait3A_333] : memref<4x2x128xi32, #tpu.memory_space<vmem>> -> memref<1x1x128xi32, #tpu.memory_space<vmem>>
      %dma_wait3A_335 = tpu.memref_squeeze %dma_wait3A_334 : memref<1x1x128xi32, #tpu.memory_space<vmem>> -> memref<128xi32, #tpu.memory_space<vmem>>
      %dma_wait3A_336 = tpu.memref_slice %arg3[%dma_wait3A_330, %mul3A_329] : memref<2x320000xi32, #tpu.memory_space<hbm>> -> memref<1x128xi32, #tpu.memory_space<hbm>>
      %dma_wait3A_337 = tpu.memref_squeeze %dma_wait3A_336 : memref<1x128xi32, #tpu.memory_space<hbm>> -> memref<128xi32, #tpu.memory_space<hbm>>
      %dma_wait3A_338 = arith.constant 0 : i32
      %dma_wait3A_339 = tpu.memref_slice %arg5[%dma_wait3A_331, %dma_wait3A_332, %dma_wait3A_338] : memref<4x2x128xi32, #tpu.memory_space<vmem>> -> memref<1x1x128xi32, #tpu.memory_space<vmem>>
      %dma_wait3A_340 = tpu.memref_squeeze %dma_wait3A_339 : memref<1x1x128xi32, #tpu.memory_space<vmem>> -> memref<128xi32, #tpu.memory_space<vmem>>
      %dma_wait3A_341 = tpu.memref_slice %arg3[%dma_wait3A_330, %mul3A_329] : memref<2x320000xi32, #tpu.memory_space<hbm>> -> memref<1x128xi32, #tpu.memory_space<hbm>>
      %dma_wait3A_342 = tpu.memref_squeeze %dma_wait3A_341 : memref<1x128xi32, #tpu.memory_space<hbm>> -> memref<128xi32, #tpu.memory_space<hbm>>
      tpu.wait_dma2 semaphore(%arg10 : memref<!tpu.dma_semaphore, #tpu.memory_space<semaphore_mem>>) src(%dma_wait3A_342 : memref<128xi32, #tpu.memory_space<hbm>>) dst(%dma_wait3A_340 : memref<128xi32, #tpu.memory_space<vmem>>)
      %dma_start3A_343 = arith.constant 2 : i32
      %dma_start3A_344 = arith.constant 0 : i32
      %dma_start3A_345 = arith.constant 0 : i32
      %dma_start3A_346 = arith.constant 0 : i32
      %dma_start3A_347 = arith.constant 0 : i32
      %dma_start3A_348 = tpu.memref_slice %arg6[%dma_start3A_345, %dma_start3A_346, %dma_start3A_347] : memref<2x128x128xf32, #tpu.memory_space<vmem>> -> memref<1x128x128xf32, #tpu.memory_space<vmem>>
      %dma_start3A_349 = tpu.memref_squeeze %dma_start3A_348 : memref<1x128x128xf32, #tpu.memory_space<vmem>> -> memref<128x128xf32, #tpu.memory_space<vmem>>
      %dma_start3A_350 = arith.constant 0 : i32
      %dma_start3A_351 = tpu.memref_slice %arg5[%dma_start3A_343, %dma_start3A_344, %dma_start3A_350] : memref<4x2x128xi32, #tpu.memory_space<vmem>> -> memref<1x1x128xi32, #tpu.memory_space<vmem>>
      %dma_start3A_352 = tpu.memref_squeeze %dma_start3A_351 : memref<1x1x128xi32, #tpu.memory_space<vmem>> -> memref<128xi32, #tpu.memory_space<vmem>>
      %dma_start3A_353 = arith.constant 0 : i32
      %dma_start3A_354 = arith.constant 0 : i32
      %dma_start3A_355 = tpu.memref_slice %arg2[%dma_start3A_353, %dma_start3A_354] : memref<10000x128xf32, #tpu.memory_space<hbm>> -> memref<10000x128xf32, #tpu.memory_space<hbm>>
      tpu.enqueue_indirect_dma source(%dma_start3A_355 : memref<10000x128xf32, #tpu.memory_space<hbm>>) target(%dma_start3A_349 : memref<128x128xf32, #tpu.memory_space<vmem>>) offsets(%dma_start3A_352 : memref<128xi32, #tpu.memory_space<vmem>>) semaphore(%arg12 : memref<!tpu.dma_semaphore, #tpu.memory_space<semaphore_mem>>)
    } else {
    }
    %add3A_285 = arith.constant 2528 : i32
    %add3A_286 = arith.addi %add3A, %add3A_285 : i32
    %lt3A_287 = arith.constant 2500 : i32
    %lt3A_288 = arith.cmpi slt, %add3A_286, %lt3A_287 : i32
    %convert_element_type3A_289 = arith.extui %lt3A_288 : i1 to i32
    %cond3A_290 = arith.constant 0 : i32
    %cond3A_291 = arith.cmpi ne, %convert_element_type3A_289, %cond3A_290 : i32
    scf.if %cond3A_291 {
      %add3A_309 = arith.constant 2528 : i32
      %add3A_310 = arith.addi %add3A, %add3A_309 : i32
      %mul3A_311 = arith.constant 128 : i32
      %mul3A_312 = arith.muli %add3A_310, %mul3A_311 : i32
      %dma_wait3A_313 = arith.constant 0 : i32
      %dma_wait3A_314 = arith.constant 3 : i32
      %dma_wait3A_315 = arith.constant 0 : i32
      %dma_wait3A_316 = arith.constant 0 : i32
      %dma_wait3A_317 = tpu.memref_slice %arg5[%dma_wait3A_314, %dma_wait3A_315, %dma_wait3A_316] : memref<4x2x128xi32, #tpu.memory_space<vmem>> -> memref<1x1x128xi32, #tpu.memory_space<vmem>>
      %dma_wait3A_318 = tpu.memref_squeeze %dma_wait3A_317 : memref<1x1x128xi32, #tpu.memory_space<vmem>> -> memref<128xi32, #tpu.memory_space<vmem>>
      %dma_wait3A_319 = tpu.memref_slice %arg3[%dma_wait3A_313, %mul3A_312] : memref<2x320000xi32, #tpu.memory_space<hbm>> -> memref<1x128xi32, #tpu.memory_space<hbm>>
      %dma_wait3A_320 = tpu.memref_squeeze %dma_wait3A_319 : memref<1x128xi32, #tpu.memory_space<hbm>> -> memref<128xi32, #tpu.memory_space<hbm>>
      %dma_wait3A_321 = arith.constant 0 : i32
      %dma_wait3A_322 = tpu.memref_slice %arg5[%dma_wait3A_314, %dma_wait3A_315, %dma_wait3A_321] : memref<4x2x128xi32, #tpu.memory_space<vmem>> -> memref<1x1x128xi32, #tpu.memory_space<vmem>>
      %dma_wait3A_323 = tpu.memref_squeeze %dma_wait3A_322 : memref<1x1x128xi32, #tpu.memory_space<vmem>> -> memref<128xi32, #tpu.memory_space<vmem>>
      %dma_wait3A_324 = tpu.memref_slice %arg3[%dma_wait3A_313, %mul3A_312] : memref<2x320000xi32, #tpu.memory_space<hbm>> -> memref<1x128xi32, #tpu.memory_space<hbm>>
      %dma_wait3A_325 = tpu.memref_squeeze %dma_wait3A_324 : memref<1x128xi32, #tpu.memory_space<hbm>> -> memref<128xi32, #tpu.memory_space<hbm>>
      tpu.wait_dma2 semaphore(%arg11 : memref<!tpu.dma_semaphore, #tpu.memory_space<semaphore_mem>>) src(%dma_wait3A_325 : memref<128xi32, #tpu.memory_space<hbm>>) dst(%dma_wait3A_323 : memref<128xi32, #tpu.memory_space<vmem>>)
      %add3A_326 = arith.constant 2528 : i32
      %add3A_327 = arith.addi %add3A, %add3A_326 : i32
      %mul3A_328 = arith.constant 128 : i32
      %mul3A_329 = arith.muli %add3A_327, %mul3A_328 : i32
      %dma_wait3A_330 = arith.constant 1 : i32
      %dma_wait3A_331 = arith.constant 3 : i32
      %dma_wait3A_332 = arith.constant 1 : i32
      %dma_wait3A_333 = arith.constant 0 : i32
      %dma_wait3A_334 = tpu.memref_slice %arg5[%dma_wait3A_331, %dma_wait3A_332, %dma_wait3A_333] : memref<4x2x128xi32, #tpu.memory_space<vmem>> -> memref<1x1x128xi32, #tpu.memory_space<vmem>>
      %dma_wait3A_335 = tpu.memref_squeeze %dma_wait3A_334 : memref<1x1x128xi32, #tpu.memory_space<vmem>> -> memref<128xi32, #tpu.memory_space<vmem>>
      %dma_wait3A_336 = tpu.memref_slice %arg3[%dma_wait3A_330, %mul3A_329] : memref<2x320000xi32, #tpu.memory_space<hbm>> -> memref<1x128xi32, #tpu.memory_space<hbm>>
      %dma_wait3A_337 = tpu.memref_squeeze %dma_wait3A_336 : memref<1x128xi32, #tpu.memory_space<hbm>> -> memref<128xi32, #tpu.memory_space<hbm>>
      %dma_wait3A_338 = arith.constant 0 : i32
      %dma_wait3A_339 = tpu.memref_slice %arg5[%dma_wait3A_331, %dma_wait3A_332, %dma_wait3A_338] : memref<4x2x128xi32, #tpu.memory_space<vmem>> -> memref<1x1x128xi32, #tpu.memory_space<vmem>>
      %dma_wait3A_340 = tpu.memref_squeeze %dma_wait3A_339 : memref<1x1x128xi32, #tpu.memory_space<vmem>> -> memref<128xi32, #tpu.memory_space<vmem>>
      %dma_wait3A_341 = tpu.memref_slice %arg3[%dma_wait3A_330, %mul3A_329] : memref<2x320000xi32, #tpu.memory_space<hbm>> -> memref<1x128xi32, #tpu.memory_space<hbm>>
      %dma_wait3A_342 = tpu.memref_squeeze %dma_wait3A_341 : memref<1x128xi32, #tpu.memory_space<hbm>> -> memref<128xi32, #tpu.memory_space<hbm>>
      tpu.wait_dma2 semaphore(%arg11 : memref<!tpu.dma_semaphore, #tpu.memory_space<semaphore_mem>>) src(%dma_wait3A_342 : memref<128xi32, #tpu.memory_space<hbm>>) dst(%dma_wait3A_340 : memref<128xi32, #tpu.memory_space<vmem>>)
      %dma_start3A_343 = arith.constant 3 : i32
      %dma_start3A_344 = arith.constant 0 : i32
      %dma_start3A_345 = arith.constant 1 : i32
      %dma_start3A_346 = arith.constant 0 : i32
      %dma_start3A_347 = arith.constant 0 : i32
      %dma_start3A_348 = tpu.memref_slice %arg6[%dma_start3A_345, %dma_start3A_346, %dma_start3A_347] : memref<2x128x128xf32, #tpu.memory_space<vmem>> -> memref<1x128x128xf32, #tpu.memory_space<vmem>>
      %dma_start3A_349 = tpu.memref_squeeze %dma_start3A_348 : memref<1x128x128xf32, #tpu.memory_space<vmem>> -> memref<128x128xf32, #tpu.memory_space<vmem>>
      %dma_start3A_350 = arith.constant 0 : i32
      %dma_start3A_351 = tpu.memref_slice %arg5[%dma_start3A_343, %dma_start3A_344, %dma_start3A_350] : memref<4x2x128xi32, #tpu.memory_space<vmem>> -> memref<1x1x128xi32, #tpu.memory_space<vmem>>
      %dma_start3A_352 = tpu.memref_squeeze %dma_start3A_351 : memref<1x1x128xi32, #tpu.memory_space<vmem>> -> memref<128xi32, #tpu.memory_space<vmem>>
      %dma_start3A_353 = arith.constant 0 : i32
      %dma_start3A_354 = arith.constant 0 : i32
      %dma_start3A_355 = tpu.memref_slice %arg2[%dma_start3A_353, %dma_start3A_354] : memref<10000x128xf32, #tpu.memory_space<hbm>> -> memref<10000x128xf32, #tpu.memory_space<hbm>>
      tpu.enqueue_indirect_dma source(%dma_start3A_355 : memref<10000x128xf32, #tpu.memory_space<hbm>>) target(%dma_start3A_349 : memref<128x128xf32, #tpu.memory_space<vmem>>) offsets(%dma_start3A_352 : memref<128xi32, #tpu.memory_space<vmem>>) semaphore(%arg13 : memref<!tpu.dma_semaphore, #tpu.memory_space<semaphore_mem>>)
    } else {
    }
    %add3A_292 = arith.constant 2496 : i32
    %add3A_293 = arith.addi %add3A, %add3A_292 : i32
    %lt3A_294 = arith.constant 2500 : i32
    %lt3A_295 = arith.cmpi slt, %add3A_293, %lt3A_294 : i32
    %convert_element_type3A_296 = arith.extui %lt3A_295 : i1 to i32
    %cond3A_297 = arith.constant 0 : i32
    %cond3A_298 = arith.cmpi ne, %convert_element_type3A_296, %cond3A_297 : i32
    scf.if %cond3A_298 {
      %dma_wait3A_309 = arith.constant 2 : i32
      %dma_wait3A_310 = arith.constant 0 : i32
      %dma_wait3A_311 = arith.constant 0 : i32
      %dma_wait3A_312 = arith.constant 0 : i32
      %dma_wait3A_313 = arith.constant 0 : i32
      %dma_wait3A_314 = tpu.memref_slice %arg6[%dma_wait3A_311, %dma_wait3A_312, %dma_wait3A_313] : memref<2x128x128xf32, #tpu.memory_space<vmem>> -> memref<1x128x128xf32, #tpu.memory_space<vmem>>
      %dma_wait3A_315 = tpu.memref_squeeze %dma_wait3A_314 : memref<1x128x128xf32, #tpu.memory_space<vmem>> -> memref<128x128xf32, #tpu.memory_space<vmem>>
      %dma_wait3A_316 = arith.constant 0 : i32
      %dma_wait3A_317 = tpu.memref_slice %arg5[%dma_wait3A_309, %dma_wait3A_310, %dma_wait3A_316] : memref<4x2x128xi32, #tpu.memory_space<vmem>> -> memref<1x1x128xi32, #tpu.memory_space<vmem>>
      %dma_wait3A_318 = tpu.memref_squeeze %dma_wait3A_317 : memref<1x1x128xi32, #tpu.memory_space<vmem>> -> memref<128xi32, #tpu.memory_space<vmem>>
      %dma_wait3A_319 = arith.constant 0 : i32
      %dma_wait3A_320 = arith.constant 0 : i32
      %dma_wait3A_321 = tpu.memref_slice %arg2[%dma_wait3A_319, %dma_wait3A_320] : memref<10000x128xf32, #tpu.memory_space<hbm>> -> memref<10000x128xf32, #tpu.memory_space<hbm>>
      tpu.wait_indirect_dma semaphore(%arg12 : memref<!tpu.dma_semaphore, #tpu.memory_space<semaphore_mem>>) src(%dma_wait3A_321 : memref<10000x128xf32, #tpu.memory_space<hbm>>) dst(%dma_wait3A_315 : memref<128x128xf32, #tpu.memory_space<vmem>>)
      %run_scoped3A_322 = arith.constant 0 : i32
      %run_scoped3A_323 = arith.constant 2 : i32
      %run_scoped3A_324 = arith.constant 1 : i32
      "tpu.region"() ({
        %run_scoped3A_325 = tpu.sem_alloc : memref<!tpu.dma_semaphore, #tpu.memory_space<semaphore_mem>>
        %dma_start3A_326 = arith.constant 0 : i32
        %dma_start3A_327 = arith.constant 0 : i32
        %dma_start3A_328 = tpu.memref_slice %arg6[%run_scoped3A_322, %dma_start3A_326, %dma_start3A_327] : memref<2x128x128xf32, #tpu.memory_space<vmem>> -> memref<1x128x128xf32, #tpu.memory_space<vmem>>
        %dma_start3A_329 = tpu.memref_squeeze %dma_start3A_328 : memref<1x128x128xf32, #tpu.memory_space<vmem>> -> memref<128x128xf32, #tpu.memory_space<vmem>>
        %dma_start3A_330 = arith.constant 0 : i32
        %dma_start3A_331 = tpu.memref_slice %arg5[%run_scoped3A_323, %run_scoped3A_324, %dma_start3A_330] : memref<4x2x128xi32, #tpu.memory_space<vmem>> -> memref<1x1x128xi32, #tpu.memory_space<vmem>>
        %dma_start3A_332 = tpu.memref_squeeze %dma_start3A_331 : memref<1x1x128xi32, #tpu.memory_space<vmem>> -> memref<128xi32, #tpu.memory_space<vmem>>
        %dma_start3A_333 = arith.constant 0 : i32
        %dma_start3A_334 = arith.constant 0 : i32
        %dma_start3A_335 = tpu.memref_slice %arg7[%dma_start3A_333, %dma_start3A_334] : memref<10240x128xf32, #tpu.memory_space<vmem_shared>> -> memref<10240x128xf32, #tpu.memory_space<vmem_shared>>
        tpu.enqueue_indirect_dma source(%dma_start3A_329 : memref<128x128xf32, #tpu.memory_space<vmem>>) target(%dma_start3A_335 : memref<10240x128xf32, #tpu.memory_space<vmem_shared>>) offsets(%dma_start3A_332 : memref<128xi32, #tpu.memory_space<vmem>>) semaphore(%run_scoped3A_325 : memref<!tpu.dma_semaphore, #tpu.memory_space<semaphore_mem>>) {add = true}
        %dma_wait3A_336 = arith.constant 0 : i32
        %dma_wait3A_337 = arith.constant 0 : i32
        %dma_wait3A_338 = tpu.memref_slice %arg6[%run_scoped3A_322, %dma_wait3A_336, %dma_wait3A_337] : memref<2x128x128xf32, #tpu.memory_space<vmem>> -> memref<1x128x128xf32, #tpu.memory_space<vmem>>
        %dma_wait3A_339 = tpu.memref_squeeze %dma_wait3A_338 : memref<1x128x128xf32, #tpu.memory_space<vmem>> -> memref<128x128xf32, #tpu.memory_space<vmem>>
        %dma_wait3A_340 = arith.constant 0 : i32
        %dma_wait3A_341 = tpu.memref_slice %arg5[%run_scoped3A_323, %run_scoped3A_324, %dma_wait3A_340] : memref<4x2x128xi32, #tpu.memory_space<vmem>> -> memref<1x1x128xi32, #tpu.memory_space<vmem>>
        %dma_wait3A_342 = tpu.memref_squeeze %dma_wait3A_341 : memref<1x1x128xi32, #tpu.memory_space<vmem>> -> memref<128xi32, #tpu.memory_space<vmem>>
        %dma_wait3A_343 = arith.constant 0 : i32
        %dma_wait3A_344 = arith.constant 0 : i32
        %dma_wait3A_345 = tpu.memref_slice %arg7[%dma_wait3A_343, %dma_wait3A_344] : memref<10240x128xf32, #tpu.memory_space<vmem_shared>> -> memref<10240x128xf32, #tpu.memory_space<vmem_shared>>
        tpu.wait_indirect_dma semaphore(%run_scoped3A_325 : memref<!tpu.dma_semaphore, #tpu.memory_space<semaphore_mem>>) src(%dma_wait3A_339 : memref<128x128xf32, #tpu.memory_space<vmem>>) dst(%dma_wait3A_345 : memref<10240x128xf32, #tpu.memory_space<vmem_shared>>)
        tpu.yield
      }) : () -> ()
    } else {
    }
    %add3A_299 = arith.constant 2528 : i32
    %add3A_300 = arith.addi %add3A, %add3A_299 : i32
    %lt3A_301 = arith.constant 2500 : i32
    %lt3A_302 = arith.cmpi slt, %add3A_300, %lt3A_301 : i32
    %convert_element_type3A_303 = arith.extui %lt3A_302 : i1 to i32
    %cond3A_304 = arith.constant 0 : i32
    %cond3A_305 = arith.cmpi ne, %convert_element_type3A_303, %cond3A_304 : i32
    scf.if %cond3A_305 {
      %dma_wait3A_309 = arith.constant 3 : i32
      %dma_wait3A_310 = arith.constant 0 : i32
      %dma_wait3A_311 = arith.constant 1 : i32
      %dma_wait3A_312 = arith.constant 0 : i32
      %dma_wait3A_313 = arith.constant 0 : i32
      %dma_wait3A_314 = tpu.memref_slice %arg6[%dma_wait3A_311, %dma_wait3A_312, %dma_wait3A_313] : memref<2x128x128xf32, #tpu.memory_space<vmem>> -> memref<1x128x128xf32, #tpu.memory_space<vmem>>
      %dma_wait3A_315 = tpu.memref_squeeze %dma_wait3A_314 : memref<1x128x128xf32, #tpu.memory_space<vmem>> -> memref<128x128xf32, #tpu.memory_space<vmem>>
      %dma_wait3A_316 = arith.constant 0 : i32
      %dma_wait3A_317 = tpu.memref_slice %arg5[%dma_wait3A_309, %dma_wait3A_310, %dma_wait3A_316] : memref<4x2x128xi32, #tpu.memory_space<vmem>> -> memref<1x1x128xi32, #tpu.memory_space<vmem>>
      %dma_wait3A_318 = tpu.memref_squeeze %dma_wait3A_317 : memref<1x1x128xi32, #tpu.memory_space<vmem>> -> memref<128xi32, #tpu.memory_space<vmem>>
      %dma_wait3A_319 = arith.constant 0 : i32
      %dma_wait3A_320 = arith.constant 0 : i32
      %dma_wait3A_321 = tpu.memref_slice %arg2[%dma_wait3A_319, %dma_wait3A_320] : memref<10000x128xf32, #tpu.memory_space<hbm>> -> memref<10000x128xf32, #tpu.memory_space<hbm>>
      tpu.wait_indirect_dma semaphore(%arg13 : memref<!tpu.dma_semaphore, #tpu.memory_space<semaphore_mem>>) src(%dma_wait3A_321 : memref<10000x128xf32, #tpu.memory_space<hbm>>) dst(%dma_wait3A_315 : memref<128x128xf32, #tpu.memory_space<vmem>>)
      %run_scoped3A_322 = arith.constant 1 : i32
      %run_scoped3A_323 = arith.constant 3 : i32
      %run_scoped3A_324 = arith.constant 1 : i32
      "tpu.region"() ({
        %run_scoped3A_325 = tpu.sem_alloc : memref<!tpu.dma_semaphore, #tpu.memory_space<semaphore_mem>>
        %dma_start3A_326 = arith.constant 0 : i32
        %dma_start3A_327 = arith.constant 0 : i32
        %dma_start3A_328 = tpu.memref_slice %arg6[%run_scoped3A_322, %dma_start3A_326, %dma_start3A_327] : memref<2x128x128xf32, #tpu.memory_space<vmem>> -> memref<1x128x128xf32, #tpu.memory_space<vmem>>
        %dma_start3A_329 = tpu.memref_squeeze %dma_start3A_328 : memref<1x128x128xf32, #tpu.memory_space<vmem>> -> memref<128x128xf32, #tpu.memory_space<vmem>>
        %dma_start3A_330 = arith.constant 0 : i32
        %dma_start3A_331 = tpu.memref_slice %arg5[%run_scoped3A_323, %run_scoped3A_324, %dma_start3A_330] : memref<4x2x128xi32, #tpu.memory_space<vmem>> -> memref<1x1x128xi32, #tpu.memory_space<vmem>>
        %dma_start3A_332 = tpu.memref_squeeze %dma_start3A_331 : memref<1x1x128xi32, #tpu.memory_space<vmem>> -> memref<128xi32, #tpu.memory_space<vmem>>
        %dma_start3A_333 = arith.constant 0 : i32
        %dma_start3A_334 = arith.constant 0 : i32
        %dma_start3A_335 = tpu.memref_slice %arg7[%dma_start3A_333, %dma_start3A_334] : memref<10240x128xf32, #tpu.memory_space<vmem_shared>> -> memref<10240x128xf32, #tpu.memory_space<vmem_shared>>
        tpu.enqueue_indirect_dma source(%dma_start3A_329 : memref<128x128xf32, #tpu.memory_space<vmem>>) target(%dma_start3A_335 : memref<10240x128xf32, #tpu.memory_space<vmem_shared>>) offsets(%dma_start3A_332 : memref<128xi32, #tpu.memory_space<vmem>>) semaphore(%run_scoped3A_325 : memref<!tpu.dma_semaphore, #tpu.memory_space<semaphore_mem>>) {add = true}
        %dma_wait3A_336 = arith.constant 0 : i32
        %dma_wait3A_337 = arith.constant 0 : i32
        %dma_wait3A_338 = tpu.memref_slice %arg6[%run_scoped3A_322, %dma_wait3A_336, %dma_wait3A_337] : memref<2x128x128xf32, #tpu.memory_space<vmem>> -> memref<1x128x128xf32, #tpu.memory_space<vmem>>
        %dma_wait3A_339 = tpu.memref_squeeze %dma_wait3A_338 : memref<1x128x128xf32, #tpu.memory_space<vmem>> -> memref<128x128xf32, #tpu.memory_space<vmem>>
        %dma_wait3A_340 = arith.constant 0 : i32
        %dma_wait3A_341 = tpu.memref_slice %arg5[%run_scoped3A_323, %run_scoped3A_324, %dma_wait3A_340] : memref<4x2x128xi32, #tpu.memory_space<vmem>> -> memref<1x1x128xi32, #tpu.memory_space<vmem>>
        %dma_wait3A_342 = tpu.memref_squeeze %dma_wait3A_341 : memref<1x1x128xi32, #tpu.memory_space<vmem>> -> memref<128xi32, #tpu.memory_space<vmem>>
        %dma_wait3A_343 = arith.constant 0 : i32
        %dma_wait3A_344 = arith.constant 0 : i32
        %dma_wait3A_345 = tpu.memref_slice %arg7[%dma_wait3A_343, %dma_wait3A_344] : memref<10240x128xf32, #tpu.memory_space<vmem_shared>> -> memref<10240x128xf32, #tpu.memory_space<vmem_shared>>
        tpu.wait_indirect_dma semaphore(%run_scoped3A_325 : memref<!tpu.dma_semaphore, #tpu.memory_space<semaphore_mem>>) src(%dma_wait3A_339 : memref<128x128xf32, #tpu.memory_space<vmem>>) dst(%dma_wait3A_345 : memref<10240x128xf32, #tpu.memory_space<vmem_shared>>)
        tpu.yield
      }) : () -> ()
    } else {
    }
    %barrier3A_306 = arith.constant 0 : index
    tpu.barrier barrier_id(%barrier3A_306)
    %mul3A_307 = arith.constant 640 : i32
    %mul3A_308 = arith.muli %arg1, %mul3A_307 : i32
    "tpu.region"() ({
      %run_scoped3A_309 = tpu.sem_alloc : memref<!tpu.dma_semaphore, #tpu.memory_space<semaphore_mem>>
      %dma_start3A_310 = arith.constant 0 : i32
      %dma_start3A_311 = tpu.memref_slice %arg4[%arg0, %mul3A_308, %dma_start3A_310] : memref<2x10240x128xf32, #tpu.memory_space<hbm>> -> memref<1x640x128xf32, #tpu.memory_space<hbm>>
      %dma_start3A_312 = tpu.memref_squeeze %dma_start3A_311 : memref<1x640x128xf32, #tpu.memory_space<hbm>> -> memref<640x128xf32, #tpu.memory_space<hbm>>
      %dma_start3A_313 = arith.constant 0 : i32
      %dma_start3A_314 = tpu.memref_slice %arg7[%mul3A_308, %dma_start3A_313] : memref<10240x128xf32, #tpu.memory_space<vmem_shared>> -> memref<640x128xf32, #tpu.memory_space<vmem_shared>>
      tpu.enqueue_dma source(%dma_start3A_314 : memref<640x128xf32, #tpu.memory_space<vmem_shared>>) target(%dma_start3A_312 : memref<640x128xf32, #tpu.memory_space<hbm>>) target_semaphore(%run_scoped3A_309 : memref<!tpu.dma_semaphore, #tpu.memory_space<semaphore_mem>>)
      %dma_wait3A_315 = arith.constant 0 : i32
      %dma_wait3A_316 = tpu.memref_slice %arg4[%arg0, %mul3A_308, %dma_wait3A_315] : memref<2x10240x128xf32, #tpu.memory_space<hbm>> -> memref<1x640x128xf32, #tpu.memory_space<hbm>>
      %dma_wait3A_317 = tpu.memref_squeeze %dma_wait3A_316 : memref<1x640x128xf32, #tpu.memory_space<hbm>> -> memref<640x128xf32, #tpu.memory_space<hbm>>
      %dma_wait3A_318 = arith.constant 0 : i32
      %dma_wait3A_319 = tpu.memref_slice %arg7[%mul3A_308, %dma_wait3A_318] : memref<10240x128xf32, #tpu.memory_space<vmem_shared>> -> memref<640x128xf32, #tpu.memory_space<vmem_shared>>
      tpu.wait_dma2 semaphore(%run_scoped3A_309 : memref<!tpu.dma_semaphore, #tpu.memory_space<semaphore_mem>>) src(%dma_wait3A_319 : memref<640x128xf32, #tpu.memory_space<vmem_shared>>) dst(%dma_wait3A_317 : memref<640x128xf32, #tpu.memory_space<hbm>>)
      tpu.yield
    }) : () -> ()
    return
  }
}

module attributes {stable_mosaic.version = 14 : i64} {
  func.func @_tc_linear_body(%arg0: i32, %arg1: memref<1000x128xf32, #tpu.memory_space<vmem>>, %arg2: memref<1000x128xf32, #tpu.memory_space<vmem>>, %arg3: memref<128x128xf32, #tpu.memory_space<vmem>>, %arg4: memref<1x128xf32, #tpu.memory_space<vmem>>, %arg5: memref<1000x128xf32, #tpu.memory_space<vmem>>) attributes {dimension_semantics = [#tpu.dimension_semantics<arbitrary>], iteration_bounds = array<i64: 10>, scalar_prefetch = 0 : i64, scratch_operands = 0 : i64, tpu.core_type = #tpu.core_type<tc>, window_params = [{transform_indices = @transform_0, window_bounds = array<i64: 1000, 128>}, {transform_indices = @transform_1, window_bounds = array<i64: 1000, 128>}, {pipeline_mode = #tpu.pipeline_mode<synchronous>, transform_indices = @transform_2, window_bounds = array<i64: 128, 128>}, {pipeline_mode = #tpu.pipeline_mode<synchronous>, transform_indices = @transform_3, window_bounds = array<i64: 1, 128>}, {transform_indices = @transform_4, window_bounds = array<i64: 1000, 128>}]} {
    %get3A = arith.constant 0 : index
    %get3A_0 = arith.constant 0 : index
    %get3A_1 = vector.load %arg1[%get3A, %get3A_0] : memref<1000x128xf32, #tpu.memory_space<vmem>>, vector<1000x128xf32>
    %get3A_2 = arith.constant 0 : index
    %get3A_3 = arith.constant 0 : index
    %get3A_4 = vector.load %arg2[%get3A_2, %get3A_3] : memref<1000x128xf32, #tpu.memory_space<vmem>>, vector<1000x128xf32>
    %add3A = arith.addf %get3A_1, %get3A_4 : vector<1000x128xf32>
    %get3A_5 = arith.constant 0 : index
    %get3A_6 = arith.constant 0 : index
    %get3A_7 = vector.load %arg3[%get3A_5, %get3A_6] : memref<128x128xf32, #tpu.memory_space<vmem>>, vector<128x128xf32>
    %dot_general3A = arith.constant dense<0.000000e+00> : vector<1000x128xf32>
    %dot_general3A_8 = tpu.matmul %add3A, %get3A_7, %dot_general3A {dimension_numbers = #tpu.dot_dimension_numbers<[1], [0], [0], [1], [0, 0, 1, 1], [], []>, transpose_lhs_hint = false} : vector<1000x128xf32>, vector<128x128xf32>, vector<1000x128xf32> -> vector<1000x128xf32>
    %get3A_9 = arith.constant 0 : index
    %get3A_10 = arith.constant 0 : index
    %get3A_11 = vector.load %arg4[%get3A_9, %get3A_10] : memref<1x128xf32, #tpu.memory_space<vmem>>, vector<1x128xf32>
    %add3A_12 = vector.broadcast %get3A_11 : vector<1x128xf32> to vector<1000x128xf32>
    %add3A_13 = arith.addf %dot_general3A_8, %add3A_12 : vector<1000x128xf32>
    %swap3A = arith.constant 0 : index
    %swap3A_14 = arith.constant 0 : index
    %swap3A_15 = vector.load %arg5[%swap3A, %swap3A_14] : memref<1000x128xf32, #tpu.memory_space<vmem>>, vector<1000x128xf32>
    tpu.vector_store %arg5[%swap3A, %swap3A_14], %add3A_13 {strides = array<i32>} : memref<1000x128xf32, #tpu.memory_space<vmem>>, vector<1000x128xf32>,
    return
  }
  func.func @transform_0(%arg0: i32) -> (i32, i32) {
    %c0_i32 = arith.constant 0 : i32
    %c0_i32_0 = arith.constant 0 : i32
    return %arg0, %c0_i32 : i32, i32
  }
  func.func @transform_1(%arg0: i32) -> (i32, i32) {
    %c0_i32 = arith.constant 0 : i32
    %c0_i32_0 = arith.constant 0 : i32
    return %arg0, %c0_i32 : i32, i32
  }
  func.func @transform_2(%arg0: i32) -> (i32, i32) {
    %c0_i32 = arith.constant 0 : i32
    %c0_i32_0 = arith.constant 0 : i32
    %c0_i32_1 = arith.constant 0 : i32
    return %c0_i32, %c0_i32_0 : i32, i32
  }
  func.func @transform_3(%arg0: i32) -> (i32, i32) {
    %c0_i32 = arith.constant 0 : i32
    %c0_i32_0 = arith.constant 0 : i32
    %c0_i32_1 = arith.constant 0 : i32
    return %c0_i32, %c0_i32_0 : i32, i32
  }
  func.func @transform_4(%arg0: i32) -> (i32, i32) {
    %c0_i32 = arith.constant 0 : i32
    %c0_i32_0 = arith.constant 0 : i32
    return %arg0, %c0_i32 : i32, i32
  }
}

</mosaic_0001>

<sc_bundles>
// kernel: kernel.4.cloned.1.call-start
scs
__scs_entry_jumppad:
0x0: {  	(pc) =	sbr.rel $0x88, $3  }
0x1: {  	(tag) =	ssettag $0x0;
	lr =	simm.s32 $0x1  }
0x2: {  	[smem:$0x3F9D] =	sst lr;
	_ =	strace $0xD0000000  }
0x3: {  	_ = 	snop  }
0x4: {  	_ = 	snop  }
0x5: {  	_ = 	snop  }
0x6: {  	_ = 	snop  }
0x7: {  	_ = 	snop  }
__scs_overlays_trampoline_lowered:
0x8: {  	[smem:$0x3FAC] =	sst s0  }
0x9: {  	[smem:$0x3FAD] =	sst s1  }
0xa: {  	[smem:$0x3FAE] =	sst s2  }
0xb: {  	[smem:$0x3FAF] =	sst s3  }
0xc: {  	[smem:$0x3FB0] =	sst s4  }
0xd: {  	[smem:$0x3FB1] =	sst s5  }
0xe: {  	[smem:$0x3FB2] =	sst s6  }
0xf: {  	[smem:$0x3FB3] =	sst s7  }
0x10: {  	[smem:$0x3FB4] =	sst s8  }
0x11: {  	[smem:$0x3FB5] =	sst s9;
	s0 =	simm.s32 @!p0 $0x0  }
0x12: {  	s1 =	sld [smem:$0x3F9B];
	s0 =	simm.s32 @p0 $0x1  }
0x13: {  	[smem:$0x3FB6] =	sst s0;
	s0 =	simm.s32 @!p1 $0x0  }
0x14: {  	s2 =	sld [smem:$0x3F9A];
	s0 =	simm.s32 @p1 $0x1  }
0x15: {  	[smem:$0x3FB7] =	sst s0;
	s0 =	simm.s32 @!p2 $0x0  }
0x16: {  	s3 =	sld [smem:$0x3FDB];
	s0 =	simm.s32 @p2 $0x1  }
0x17: {  	s4 =	simm.s32 $0x1BF5;
	[smem:$0x3FB9] =	sst s0  }
0x18: {  	s0 =	sld [smem:$0x3F9C];
	_ =	swait.ge [sflag:s4], $0x0  }
0x19: {  	s7 =	sld [smem:$0x3F9D]  }
0x1a: {  	s8 =	sadd.s32 $0xFFFFE003, lr  }
0x1b: {  	s9 =	sadd.s32 $0xFFFFFEF7, lr;
	s5 =	simm.s32 $0xFFFFFFFF;
	p2 =	slt.u32 s8, $0xFFFFF086  }
0x1c: {  	p1 =	slt.u32 s9, $0xF7A;
	s5 =	simm.s32 @!p2 $0x0  }
0x1d: {  	s5 =	simm.s32 @p1 $0x1;
	p0 =	seq.s32 s7, s2  }
0x1e: {  	s7 =	smul.u32 @!p0 $0xF7A, s2;
	p2 =	seq.s32 @!p0 s5, $0x0  }
0x1f: {  	s9 =	smul.u32 $0xF7A, s1;
	s8 =	simm.s32 @!p0 $0x1BF5;
	p2 =	por !p2, p0  }
0x20: {  	[sflag:s8] =	ssyncset.s32 @!p0 $0xFFFFF086;
	s6 =	sadd.s32 @!p0 s3, s7;
	s7 =	simm.s32 @!p0 $0x108  }
0x21: {  	s3 =	sadd.s32 s3, s9;
	s6 =	sadd.s32 @!p0 $0x88, s6;
	s7 =	simm.s32 @p2 $0x1082  }
0x22: {  	[simem:s7], [sflag:s8] =	dma.local @!p0 [hbm:s6], $0xF7A  }
0x23: {  	s9 =	sor.u32 $0xD0000000, s2;
	s6 =	simm.s32 $0x108;
	_ =	swait.ge @!p0 [sflag:s8], $0x0  }
0x24: {  	s3 =	sadd.s32 $0x88, s3;
	s6 =	simm.s32 @!p1 $0x1082;
	[sflag:s4] =	ssyncset.s32 $0xFFFFF086  }
0x25: {  	[simem:s6], [sflag:s4] =	dma.local [hbm:s3], $0xF7A  }
0x26: {  	[smem:$0x3F9D] =	sst s1;
	(tag) =	ssettag s2;
	_ =	strace s9  }
0x27: {  	s1 =	sld [smem:$0x3FAD]  }
0x28: {  	s2 =	sld [smem:$0x3FAE]  }
0x29: {  	s4 =	sld [smem:$0x3FB0]  }
0x2a: {  	p0 =	seq.s32 s5, $0x0;
	s5 =	sld [smem:$0x3FB1]  }
0x2b: {  	s6 =	sld [smem:$0x3FB2]  }
0x2c: {  	s7 =	sld [smem:$0x3FB3]  }
0x2d: {  	s3 =	simm.s32 $0x108;
	s8 =	sld [smem:$0x3FB4]  }
0x2e: {  	s3 =	simm.s32 @!p0 $0x1082;
	s9 =	sld [smem:$0x3FB5]  }
0x2f: {  	lr =	sadd.s32 s0, s3;
	s0 =	sld [smem:$0x3FAC]  }
0x30: {  	s3 =	sld [smem:$0x3FAF]  }
0x31: {  	[smem:$0x3FB8] =	sst s10  }
0x32: {  	s10 =	sld [smem:$0x3FB6];
	_ =	sdelay $0x3  }
0x33: {  	p0 =	seq.s32 s10, $0x1;
	s10 =	sld [smem:$0x3FB8];
	_ =	sdelay $0x3  }
0x34: {  	[smem:$0x3FB8] =	sst s10  }
0x35: {  	s10 =	sld [smem:$0x3FB7];
	_ =	sdelay $0x3  }
0x36: {  	p1 =	seq.s32 s10, $0x1;
	s10 =	sld [smem:$0x3FB8];
	_ =	sdelay $0x3  }
0x37: {  	[smem:$0x3FB8] =	sst s10  }
0x38: {  	s10 =	sld [smem:$0x3FB9]  }
0x39: {  	_ = 	snop;
	(pc) =	sbr.ind lr, $3  }
0x3a: {  	_ = 	snop  }
0x3b: {  	_ = 	snop  }
0x3c: {  	p2 =	seq.s32 s10, $0x1;
	s10 =	sld [smem:$0x3FB8]  }
0x3d: {  	_ =	shalt  }
0x3e: {  	_ =	shalt  }
0x3f: {  	_ =	shalt  }
0x40: {  	_ =	shalt  }
0x41: {  	_ =	shalt  }
0x42: {  	_ =	shalt  }
0x43: {  	_ =	shalt  }
0x44: {  	_ =	shalt  }
0x45: {  	_ =	shalt  }
0x46: {  	_ =	shalt  }
0x47: {  	_ =	shalt  }
0x48: {  	_ =	shalt  }
0x49: {  	_ =	shalt  }
0x4a: {  	_ =	shalt  }
0x4b: {  	_ =	shalt  }
0x4c: {  	_ =	shalt  }
0x4d: {  	_ =	shalt  }
0x4e: {  	_ =	shalt  }
0x4f: {  	_ =	shalt  }
0x50: {  	_ =	shalt  }
0x51: {  	_ =	shalt  }
0x52: {  	_ =	shalt  }
0x53: {  	_ =	shalt  }
0x54: {  	_ =	shalt  }
0x55: {  	_ =	shalt  }
0x56: {  	_ =	shalt  }
0x57: {  	_ =	shalt  }
0x58: {  	_ =	shalt  }
0x59: {  	_ =	shalt  }
0x5a: {  	_ =	shalt  }
0x5b: {  	_ =	shalt  }
0x5c: {  	_ =	shalt  }
0x5d: {  	_ =	shalt  }
0x5e: {  	_ =	shalt  }
0x5f: {  	_ =	shalt  }
0x60: {  	_ =	shalt  }
0x61: {  	_ =	shalt  }
0x62: {  	_ =	shalt  }
0x63: {  	_ =	shalt  }
0x64: {  	_ =	shalt  }
0x65: {  	_ =	shalt  }
0x66: {  	_ =	shalt  }
0x67: {  	_ =	shalt  }
0x68: {  	_ =	shalt  }
0x69: {  	_ =	shalt  }
0x6a: {  	_ =	shalt  }
0x6b: {  	_ =	shalt  }
0x6c: {  	_ =	shalt  }
0x6d: {  	_ =	shalt  }
0x6e: {  	_ =	shalt  }
0x6f: {  	_ =	shalt  }
0x70: {  	_ =	shalt  }
0x71: {  	_ =	shalt  }
0x72: {  	_ =	shalt  }
0x73: {  	_ =	shalt  }
0x74: {  	_ =	shalt  }
0x75: {  	_ =	shalt  }
0x76: {  	_ =	shalt  }
0x77: {  	_ =	shalt  }
0x78: {  	_ =	shalt  }
0x79: {  	_ =	shalt  }
0x7a: {  	_ =	shalt  }
0x7b: {  	_ =	shalt  }
0x7c: {  	_ =	shalt  }
0x7d: {  	_ =	shalt  }
0x7e: {  	_ =	shalt  }
0x7f: {  	_ =	shalt  }
0x80: {  	_ =	shalt  }
0x81: {  	_ =	shalt  }
0x82: {  	_ =	shalt  }
0x83: {  	_ =	shalt  }
0x84: {  	_ =	shalt  }
0x85: {  	_ =	shalt  }
0x86: {  	_ =	shalt  }
0x87: {  	_ =	shalt  }
.Lfunc_end0:
.L_simem_size_0:
called_computation_lowered:
.L_overlay_start_0:
0x88: {  	s2 =	sld [smem:$0x3FD9]  }
0x89: {  	s3 =	sld [smem:$0x3FFE];
	_ =	sdelay $0x1  }
0x8a: {  	s1 =	srdreg.scid  }
0x8b: {  	s0 =	sand.u32 $0x1, s1  }
0x8c: {  	s17 =	sshll.u32 s0, $0xA;
	s2 =	sadd.s32 s3, s2  }
0x8d: {  	s2 =	sadd.s32 s2, s17  }
0x8e: {  	[smem:$0x3FC4] =	sst s2  }
0x8f: {  	_ = 	snop  }
0x90: {  	s2 =	sld [smem:$0x3FC9]  }
0x91: {  	s18 =	sld [smem:$0x3FC8];
	(tm) =	ssettm $0x1  }
0x92: {  	s4 =	sld [smem:$0x3FFB];
	_ =	sdelay $0x3  }
0x93: {  	_ =	strace s4  }
0x94: {  	s4 =	sld [smem:$0x3FFC];
	_ =	sdelay $0x3  }
0x95: {  	_ =	strace s4  }
0x96: {  	s4 =	sld [smem:$0x3FFD];
	_ =	sdelay $0x3  }
0x97: {  	_ =	strace s4  }
0x98: {  	_ =	strace $0x8FFFFFFF  }
0x99: {  	s19 =	sld [smem:$0x3FDB];
	_ =	sdelay $0x1  }
0x9a: {  	s5 =	simm.s32 $_scs_section_size  }
0x9b: {  	s6 =	simm.s32 $_size__tile_overlayer_lowered;
	s7 =	simm.s32 $_tile_overlayer_lowered  }
0x9c: {  	s22 =	simm.s32 $0x1BFF;
	s21 =	sshll.u32 s7, $0x1;
	s4 =	sadd.s32 s5, s19  }
0x9d: {  	s8 =	simm.s32 $0x0;
	s20 =	sshll.u32 s6, $0x1;
	s6 =	sadd.s32 s21, s4  }
0x9e: {  	[timem:s8], [sflag:s22] =	dma.local [hbm:s6], s20  }
0x9f: {  	_ =	swait.ge [sflag:s22], s20  }
0xa0: {  	s5 =	ssub.s32 $0x0, s20;
	[sflag:s22] =	ssyncset.done $0x0  }
0xa1: {  	[sflag:s22] =	ssyncadd.s32 s5;
	_ =	sdelay $0x1  }
0xa2: {  	s23 =	simm.s32 $0x1B8B  }
0xa3: {  	_ =	swait.ge [sflag:s23], $0x1  }
0xa4: {  	[sflag:s23] =	ssyncset.done $0x0  }
0xa5: {  	s25 =	simm.s32 $0x1B8E;
	s24 =	sld [smem:$0x3FFE];
	[sflag:s23] =	ssyncadd.s32 $0xFFFFFFFF  }
0xa6: {  	s26 =	simm.s32 $execute0_lowered;
	[smem:$0x3FD2] =	sst s25  }
0xa7: {  	s6 =	sshll.u32 s26, $0x1;
	_ =	strace $0x80000046;
	[dreg:$0x1] =	wrdreg $0xFFFFFFFF  }
0xa8: {  	s28 =	simm.s32 $_size_execute0_lowered;
	s4 =	sadd.s32 s4, s6;
	[dreg:$0x0] =	wrdreg $0x0  }
0xa9: {  	s6 =	sshll.u32 s28, $0x1;
	[dreg:$0x2] =	wrdreg s4  }
0xaa: {  	[dreg:$0x3] =	wrdreg s6  }
0xab: {  	[dreg:$0x4] =	wrdreg $0xC0  }
0xac: {  	_ =	task [dreg:s8], $0x5FFFF  }
0xad: {  	[dreg:$0x1] =	wrdreg $0xFFFFFFFF  }
0xae: {  	[dreg:$0x0] =	wrdreg $0x60  }
0xaf: {  	[dreg:$0x2] =	wrdreg s2  }
0xb0: {  	[dreg:$0x3] =	wrdreg s18  }
0xb1: {  	[dreg:$0x4] =	wrdreg s24  }
0xb2: {  	[dreg:$0x5] =	wrdreg $0x84000  }
0xb3: {  	[dreg:$0x6] =	wrdreg $0x9  }
0xb4: {  	_ =	task.clear_ibuf [dreg:s8], $0x7FFFF;
	_ =	strace $0x90000046  }
0xb5: {  	s29 =	simm.s32 $0x9;
	_ =	strace $0x80000048  }
0xb6: {  	_ =	swait.ge [sflag:s29], $0x1  }
0xb7: {  	[sflag:s29] =	ssyncadd.s32 $0xFFFFFFFF  }
0xb8: {  	_ =	strace $0x90000048  }
0xb9: {  	_ =	sfence  }
0xba: {  	s30 =	sld [smem:$0x0];
	_ =	sdelay $0x2  }
0xbb: {  	s31 =	sshll.u32 s1, $0xD;
	s1 =	sshrl.u32 s1, $0x2  }
0xbc: {  	s3 =	sand.u32 $0x4000, s31;
	s1 =	sadd.s32 s1, s30  }
0xbd: {  	s0 =	sor.u32 s3, s0;
	s1 =	sshll.u32 s1, $0x11  }
0xbe: {  	s0 =	sor.u32 s1, s0  }
0xbf: {  	s0 =	sadd.s32 $0x8F2B, s0  }
0xc0: {  	[sflag:s0] =	ssyncadd.remote.s32 $0x1  }
0xc1: {  	_ =	sfence.sel $0xFFFF  }
0xc2: {  	[dreg:$0x0] =	wrdreg $0xFFFFFFFF;
	(pc) =	sbr.abs _section_cstart, $3  }
0xc3: {  	[dreg:$0x1] =	wrdreg $0xFFFFFFFF  }
0xc4: {  	_ =	task.clear_ibuf [dreg:s8], $0x2FFFF;
	_ =	strace $0x9FFFFFFF  }
0xc5: {  	(tm) =	ssettm $0x7FFFFFFF  }
tec
execute0_lowered:
.L_overlay_start_1:
0x0: {  	(tag) =	ssettag $0x1  }
0x1: {  	s0 =	rddreg [dreg:$0x0]  }
0x2: {  	s1 =	rddreg [dreg:$0x1]  }
0x3: {  	s2 =	rddreg [dreg:$0x2];
	s4 =	srdreg.scid  }
0x4: {  	s3 =	rddreg [dreg:$0x3];
	s12 =	stileid.u32  }
0x5: {  	s28 =	simm.s32 $0x180;
	s29 =	simm.s32 $0x1;
	s30 =	simm.s32 $0x200  }
0x6: {  	s31 =	simm.s32 $0x280;
	s7 =	sand.u32 $0x1, s4;
	s6 =	smul.u32 $0x14000, s12  }
0x7: {  	s4 =	simm.s32 $0x0;
	s25 =	sshll.u32 s12, $0x1;
	s8 =	smul.u32 $0x50000, s12  }
0x8: {  	s23 =	sshll.u32 s12, $0x6;
	p0 =	sgt.u32 s12, $0x1;
	s12 =	simm.s32 $0x4  }
0x9: {  	s5 =	smul.u32 $0x140000, s7;
	[smem:$0x7FF] =	sst s4;
	s9 =	sor.u32 s7, s25  }
0xa: {  	s26 =	ssub.s32 $0x2, s7;
	s25 =	sshll.u32 s7, $0x5;
	s10 =	sshll.u32 s9, $0x5  }
0xb: {  	s7 =	simm.s32 $0x300;
	s5 =	sadd.s32 s6, s5;
	s6 =	sadd.s32 s1, s10  }
0xc: {  	_ =	strace $0x80000047;
	[dreg:$0x10] =	wrdreg s23;
	s13 =	sadd.s32 $0x10, s6  }
0xd: {  	s11 =	sshrl.u32 s26, $0x1;
	s14 =	sadd.s32 $0x400, s6;
	[dreg:$0x5] =	wrdreg s13  }
0xe: {  	s8 =	sshrl.u32 s8, $0x2;
	s15 =	sadd.s32 $0x410, s6;
	[dreg:$0x6] =	wrdreg s14  }
0xf: {  	s11 =	ssub.s32 s26, s11;
	s16 =	sadd.s32 $0x800, s6;
	[dreg:$0x7] =	wrdreg s15  }
0x10: {  	s1 =	sadd.s32 s23, s1;
	s17 =	sadd.s32 $0x810, s6;
	[dreg:$0x8] =	wrdreg s16  }
0x11: {  	s23 =	simm.s32 $0x400;
	s18 =	sadd.s32 $0xC00, s6;
	[dreg:$0x9] =	wrdreg s17  }
0x12: {  	s5 =	sshrl.u32 s5, $0x3;
	s19 =	sadd.s32 $0xC10, s6;
	[dreg:$0xa] =	wrdreg s18  }
0x13: {  	s20 =	smax.u32 s11, $0x1;
	s2 =	sadd.s32 s5, s2;
	[dreg:$0xb] =	wrdreg s19  }
0x14: {  	s5 =	sadd.s32 s8, s3;
	[dreg:$0xd] =	wrdreg s20;
	s2 =	sadd.s32 $0xA00, s2  }
0x15: {  	s10 =	simm.s32 $0x3;
	s21 =	sadd.s32 $0x4000, s5;
	[dreg:$0xc] =	wrdreg s2  }
0x16: {  	s11 =	simm.s32 $0x6;
	s22 =	sadd.s32 $0x8000, s5;
	[dreg:$0xe] =	wrdreg s21  }
0x17: {  	s8 =	simm.s32 $0x380;
	s24 =	sadd.s32 $0xC000, s5;
	[dreg:$0xf] =	wrdreg s22  }
0x18: {  	s13 =	simm.s32 $0x0;
	s26 =	sadd.s32 $0x10000, s5;
	[dreg:$0x11] =	wrdreg s24  }
0x19: {  	[dreg:$0x12] =	wrdreg s26;
	s21 =	sadd.s32 s25, s1;
	s22 =	sor.u32 $0xE0, s9  }
0x1a: {  	s24 =	simm.s32 $0x7;
	s25 =	simm.s32 $0x80;
	s26 =	simm.s32 $0x100  }
0x1b: {  	v0 =	vimm.f32 $0.0e+00;
	s1 =	simm.s32 $0x2;
	s2 =	simm.s32 $0x4400;
	s9 =	simm.s32 $0x5  }
.LBB2_1:
0x1c: {  	s14 =	simm.s32 $0x0;
	s15 =	simm.s32 $0x200  }
.LBB2_2:
0x1d: {  	p1 =	sne.s32 s15, $0xFE00;
	[tilespmem:s14+$0x470] =	vst v0  }
0x1e: {  	[tilespmem:s14+$0x400] =	vst v0  }
0x1f: {  	[tilespmem:s14+$0x410] =	vst v0  }
.Ltmp0:
0x20: {  	[tilespmem:s14+$0x420] =	vst v0;
	(pc) =	sbr.rel @p1 .LBB2_2-.Ltmp0, $4  }
0x21: {  	[tilespmem:s14+$0x430] =	vst v0  }
0x22: {  	[tilespmem:s14+$0x440] =	vst v0  }
0x23: {  	[tilespmem:s14+$0x450] =	vst v0  }
0x24: {  	[tilespmem:s14+$0x460] =	vst v0;
	s14 =	sshra.s32 s15, $0x2;
	s15 =	sadd.s32 $0x200, s15  }
0x25: {  	[tilespmem:s14+$0x470] =	vst v0  }
0x26: {  	[tilespmem:s14+$0x400] =	vst v0  }
0x27: {  	[tilespmem:s14+$0x410] =	vst v0  }
0x28: {  	[tilespmem:s14+$0x420] =	vst v0  }
0x29: {  	[tilespmem:s14+$0x430] =	vst v0  }
0x2a: {  	[tilespmem:s14+$0x440] =	vst v0  }
0x2b: {  	[tilespmem:s14+$0x450] =	vst v0  }
0x2c: {  	[tilespmem:s14+$0x460] =	vst v0  }
0x2d: {  	[spmem:s5] =	stream.linear.scatter [tilespmem:s23], [sflag:$0x7], $0x4000, $0x38;
	[tilespmem:$0x1C400] =	vst v63  }
0x2e: {  	_ =	swait.ge [sflag:s24], $0x4000  }
0x2f: {  	[sflag:s24] =	ssyncset.done $0x0  }
0x30: {  	s16 =	rddreg [dreg:$0xe];
	[sflag:s24] =	ssyncadd.s32 $0xFFFFC000  }
0x31: {  	[spmem:s16] =	stream.linear.scatter [tilespmem:s23], [sflag:$0x7], $0x4000, $0x38;
	[tilespmem:$0x1C400] =	vst v63  }
0x32: {  	_ =	swait.ge [sflag:s24], $0x4000  }
0x33: {  	[sflag:s24] =	ssyncset.done $0x0  }
0x34: {  	s17 =	rddreg [dreg:$0xf];
	[sflag:s24] =	ssyncadd.s32 $0xFFFFC000  }
0x35: {  	[spmem:s17] =	stream.linear.scatter [tilespmem:s23], [sflag:$0x7], $0x4000, $0x38;
	[tilespmem:$0x1C400] =	vst v63  }
0x36: {  	_ =	swait.ge [sflag:s24], $0x4000  }
0x37: {  	[sflag:s24] =	ssyncset.done $0x0  }
0x38: {  	s18 =	rddreg [dreg:$0x11];
	[sflag:s24] =	ssyncadd.s32 $0xFFFFC000  }
0x39: {  	[spmem:s18] =	stream.linear.scatter [tilespmem:s23], [sflag:$0x7], $0x4000, $0x38;
	[tilespmem:$0x1C400] =	vst v63  }
0x3a: {  	_ =	swait.ge [sflag:s24], $0x4000  }
0x3b: {  	[sflag:s24] =	ssyncset.done $0x0  }
0x3c: {  	s19 =	rddreg [dreg:$0x12];
	[sflag:s24] =	ssyncadd.s32 $0xFFFFC000  }
0x3d: {  	[spmem:s19] =	stream.linear.scatter [tilespmem:s23], [sflag:$0x7], $0x4000, $0x38;
	[tilespmem:$0x1C400] =	vst v63  }
0x3e: {  	_ =	swait.ge [sflag:s24], $0x4000  }
0x3f: {  	[sflag:s24] =	ssyncset.done $0x0  }
0x40: {  	[sflag:s24] =	ssyncadd.s32 $0xFFFFC000  }
0x41: {  	s14 =	simm.s32 $0x0;
	[bflag:$0x0] =	sbarrier.arrive $0xFFFF  }
0x42: {  	[tilespmem:s14], [sflag:$0x1] =	stream.linear.gather [hbm4b:s6+s14], $0x80, $0x38;
	[tilespmem:$0x1C400] =	vst v63  }
0x43: {  	s15 =	rddreg [dreg:$0x5]  }
0x44: {  	[tilespmem:s25], [sflag:$0x1] =	stream.linear.gather [hbm4b:s15+s14], $0x80, $0x38;
	[tilespmem:$0x1C400] =	vst v63  }
0x45: {  	s20 =	rddreg [dreg:$0x6]  }
0x46: {  	[tilespmem:s26], [sflag:$0x2] =	stream.linear.gather [hbm4b:s20+s14], $0x80, $0x38;
	[tilespmem:$0x1C400] =	vst v63  }
0x47: {  	s16 =	rddreg [dreg:$0x7]  }
0x48: {  	[tilespmem:s28], [sflag:$0x2] =	stream.linear.gather [hbm4b:s16+s14], $0x80, $0x38;
	[tilespmem:$0x1C400] =	vst v63  }
0x49: {  	_ =	swait.ge [sflag:s29], $0x80  }
0x4a: {  	[sflag:s29] =	ssyncset.done $0x0  }
0x4b: {  	[sflag:s29] =	ssyncadd.s32 $0xFFFFFF80  }
0x4c: {  	_ =	swait.ge [sflag:s29], $0x80  }
0x4d: {  	[sflag:s29] =	ssyncset.done $0x0  }
0x4e: {  	[sflag:s29] =	ssyncadd.s32 $0xFFFFFF80  }
0x4f: {  	[tilespmem:s23], [sflag:$0x5] =	stream.indirect.gather [hbm4b:s0+s25], $0x80, s14, s25, $0xb8;
	[tilespmem:$0x1C400] =	vst v63  }
0x50: {  	s17 =	rddreg [dreg:$0x8]  }
0x51: {  	[tilespmem:s30], [sflag:$0x3] =	stream.linear.gather [hbm4b:s17+s14], $0x80, $0x38;
	[tilespmem:$0x1C400] =	vst v63  }
0x52: {  	s18 =	rddreg [dreg:$0x9]  }
0x53: {  	[tilespmem:s31], [sflag:$0x3] =	stream.linear.gather [hbm4b:s18+s14], $0x80, $0x38;
	[tilespmem:$0x1C400] =	vst v63  }
0x54: {  	_ =	swait.ge [sflag:s1], $0x80  }
0x55: {  	[sflag:s1] =	ssyncset.done $0x0  }
0x56: {  	[sflag:s1] =	ssyncadd.s32 $0xFFFFFF80  }
0x57: {  	_ =	swait.ge [sflag:s1], $0x80  }
0x58: {  	[sflag:s1] =	ssyncset.done $0x0  }
0x59: {  	[sflag:s1] =	ssyncadd.s32 $0xFFFFFF80  }
0x5a: {  	[tilespmem:s2], [sflag:$0x6] =	stream.indirect.gather [hbm4b:s0+s25], $0x80, s26, s25, $0xb8;
	[tilespmem:$0x1C400] =	vst v63  }
0x5b: {  	s19 =	rddreg [dreg:$0xa]  }
0x5c: {  	[tilespmem:s7], [sflag:$0x4] =	stream.linear.gather [hbm4b:s19+s14], $0x80, $0x38;
	[tilespmem:$0x1C400] =	vst v63  }
0x5d: {  	s20 =	rddreg [dreg:$0xb]  }
0x5e: {  	[tilespmem:s8], [sflag:$0x4] =	stream.linear.gather [hbm4b:s20+s14], $0x80, $0x38;
	[tilespmem:$0x1C400] =	vst v63  }
0x5f: {  	_ =	swait.ge [sflag:s9], $0x4000  }
0x60: {  	[sflag:s9] =	ssyncset.done $0x0  }
0x61: {  	[sflag:s9] =	ssyncadd.s32 $0xFFFFC000  }
0x62: {  	[spmem:s3] =	stream.indirect.scatter.add.f32 [tilespmem:s23], [sflag:$0x7], $0x80, s25, s25, $0xb8;
	[tilespmem:$0x1C400] =	vst v63  }
0x63: {  	_ =	swait.ge [sflag:s24], $0x4000  }
0x64: {  	s16 =	sadd.s32 $0x0, s21;
	[sflag:s24] =	ssyncset.done $0x0  }
0x65: {  	s17 =	sadd.s32 $0x1000, s16;
	[sflag:s24] =	ssyncadd.s32 $0xFFFFC000  }
0x66: {  	[tilespmem:s4], [sflag:$0x1] =	stream.linear.gather [hbm4b:s17+s4], $0x80, $0x38;
	[tilespmem:$0x1C400] =	vst v63  }
0x67: {  	s18 =	sadd.s32 $0x1010, s16  }
0x68: {  	[tilespmem:s25], [sflag:$0x1] =	stream.linear.gather [hbm4b:s18+s4], $0x80, $0x38;
	[tilespmem:$0x1C400] =	vst v63  }
0x69: {  	_ =	swait.ge [sflag:s10], $0x80  }
0x6a: {  	[sflag:s10] =	ssyncset.done $0x0  }
0x6b: {  	[sflag:s10] =	ssyncadd.s32 $0xFFFFFF80  }
0x6c: {  	_ =	swait.ge [sflag:s10], $0x80  }
0x6d: {  	[sflag:s10] =	ssyncset.done $0x0  }
0x6e: {  	[sflag:s10] =	ssyncadd.s32 $0xFFFFFF80  }
0x6f: {  	[tilespmem:s23], [sflag:$0x5] =	stream.indirect.gather [hbm4b:s0+s25], $0x80, s30, s25, $0xb8;
	[tilespmem:$0x1C400] =	vst v63  }
0x70: {  	_ =	swait.ge [sflag:s11], $0x4000  }
0x71: {  	[sflag:s11] =	ssyncset.done $0x0  }
0x72: {  	[sflag:s11] =	ssyncadd.s32 $0xFFFFC000  }
0x73: {  	[spmem:s3] =	stream.indirect.scatter.add.f32 [tilespmem:s2], [sflag:$0x7], $0x80, s28, s25, $0xb8;
	[tilespmem:$0x1C400] =	vst v63  }
0x74: {  	_ =	swait.ge [sflag:s24], $0x4000  }
0x75: {  	[sflag:s24] =	ssyncset.done $0x0  }
0x76: {  	s19 =	sadd.s32 $0x1400, s16;
	[sflag:s24] =	ssyncadd.s32 $0xFFFFC000  }
0x77: {  	[tilespmem:s26], [sflag:$0x2] =	stream.linear.gather [hbm4b:s19+s4], $0x80, $0x38;
	[tilespmem:$0x1C400] =	vst v63  }
0x78: {  	s14 =	sadd.s32 $0x1410, s16  }
0x79: {  	[tilespmem:s28], [sflag:$0x2] =	stream.linear.gather [hbm4b:s14+s4], $0x80, $0x38;
	[tilespmem:$0x1C400] =	vst v63  }
0x7a: {  	_ =	swait.ge [sflag:s12], $0x80  }
0x7b: {  	[sflag:s12] =	ssyncset.done $0x0  }
0x7c: {  	[sflag:s12] =	ssyncadd.s32 $0xFFFFFF80  }
0x7d: {  	_ =	swait.ge [sflag:s12], $0x80  }
0x7e: {  	[sflag:s12] =	ssyncset.done $0x0  }
0x7f: {  	[sflag:s12] =	ssyncadd.s32 $0xFFFFFF80  }
0x80: {  	[tilespmem:s2], [sflag:$0x6] =	stream.indirect.gather [hbm4b:s0+s25], $0x80, s7, s25, $0xb8;
	[tilespmem:$0x1C400] =	vst v63  }
0x81: {  	_ =	swait.ge [sflag:s9], $0x4000  }
0x82: {  	[sflag:s9] =	ssyncset.done $0x0  }
0x83: {  	s20 =	sadd.s32 $0xFFFFFFE0, s22;
	[sflag:s9] =	ssyncadd.s32 $0xFFFFC000  }
0x84: {  	[spmem:s3] =	stream.indirect.scatter.add.f32 [tilespmem:s23], [sflag:$0x7], $0x80, s31, s25, $0xb8;
	[tilespmem:$0x1C400] =	vst v63  }
0x85: {  	p1 =	sgt.u32 s20, $0x9C3;
	_ =	swait.ge [sflag:s24], $0x4000  }
0x86: {  	s15 =	simm.s32 @!p1 $0x200;
	s14 =	sadd.s32 @!p1 $0x0, s21;
	[sflag:s24] =	ssyncset.done $0x0  }
0x87: {  	s17 =	simm.s32 @!p1 $0x0;
	s16 =	sadd.s32 @!p1 $0x1800, s14;
	[sflag:s24] =	ssyncadd.s32 $0xFFFFC000  }
0x88: {  	[tilespmem:s15], [sflag:$0x3] =	stream.linear.gather @!p1 [hbm4b:s16+s17], $0x80, $0x38;
	[tilespmem:$0x1C400] =	vst v63  }
0x89: {  	s14 =	sadd.s32 @!p1 $0x1810, s14;
	s15 =	simm.s32 @!p1 $0x280  }
0x8a: {  	[tilespmem:s15], [sflag:$0x3] =	stream.linear.gather @!p1 [hbm4b:s14+s17], $0x80, $0x38;
	[tilespmem:$0x1C400] =	vst v63  }
0x8b: {  	_ =	swait.ge [sflag:s29], $0x80  }
0x8c: {  	[sflag:s29] =	ssyncset.done $0x0  }
0x8d: {  	[sflag:s29] =	ssyncadd.s32 $0xFFFFFF80  }
0x8e: {  	_ =	swait.ge [sflag:s29], $0x80  }
0x8f: {  	[sflag:s29] =	ssyncset.done $0x0  }
0x90: {  	[sflag:s29] =	ssyncadd.s32 $0xFFFFFF80  }
0x91: {  	[tilespmem:s23], [sflag:$0x5] =	stream.indirect.gather [hbm4b:s0+s25], $0x80, s4, s25, $0xb8;
	[tilespmem:$0x1C400] =	vst v63  }
0x92: {  	_ =	swait.ge [sflag:s11], $0x4000  }
0x93: {  	[sflag:s11] =	ssyncset.done $0x0  }
0x94: {  	[sflag:s11] =	ssyncadd.s32 $0xFFFFC000  }
0x95: {  	[spmem:s3] =	stream.indirect.scatter.add.f32 [tilespmem:s2], [sflag:$0x7], $0x80, s8, s25, $0xb8;
	[tilespmem:$0x1C400] =	vst v63  }
0x96: {  	p1 =	sgt.u32 s22, $0x9C3;
	_ =	swait.ge [sflag:s24], $0x4000  }
0x97: {  	s14 =	sadd.s32 @!p1 $0x0, s21;
	s15 =	simm.s32 @!p1 $0x300;
	[sflag:s24] =	ssyncset.done $0x0  }
0x98: {  	s17 =	simm.s32 @!p1 $0x0;
	s16 =	sadd.s32 @!p1 $0x1C00, s14;
	[sflag:s24] =	ssyncadd.s32 $0xFFFFC000  }
0x99: {  	[tilespmem:s15], [sflag:$0x4] =	stream.linear.gather @!p1 [hbm4b:s16+s17], $0x80, $0x38;
	[tilespmem:$0x1C400] =	vst v63  }
0x9a: {  	s14 =	sadd.s32 @!p1 $0x1C10, s14;
	s15 =	simm.s32 @!p1 $0x380  }
0x9b: {  	[tilespmem:s15], [sflag:$0x4] =	stream.linear.gather @!p1 [hbm4b:s14+s17], $0x80, $0x38;
	[tilespmem:$0x1C400] =	vst v63  }
0x9c: {  	_ =	swait.ge [sflag:s1], $0x80  }
0x9d: {  	[sflag:s1] =	ssyncset.done $0x0  }
0x9e: {  	[sflag:s1] =	ssyncadd.s32 $0xFFFFFF80  }
0x9f: {  	_ =	swait.ge [sflag:s1], $0x80  }
0xa0: {  	[sflag:s1] =	ssyncset.done $0x0  }
0xa1: {  	s14 =	simm.s32 $0x1000;
	s15 =	sadd.s32 $0x80, s22;
	[sflag:s1] =	ssyncadd.s32 $0xFFFFFF80  }
.LBB2_4:
0xa2: {  	[tilespmem:s2], [sflag:$0x6] =	stream.indirect.gather [hbm4b:s0+s25], $0x80, s26, s25, $0xb8;
	[tilespmem:$0x1C400] =	vst v63  }
0xa3: {  	s16 =	smov.u32 s14;
	s14 =	sadd.s32 $0x1000, s14;
	_ =	swait.ge [sflag:s9], $0x4000  }
0xa4: {  	p1 =	sne.s32 s14, $0x13000;
	[sflag:s9] =	ssyncset.done $0x0  }
0xa5: {  	[sflag:s9] =	ssyncadd.s32 $0xFFFFC000  }
0xa6: {  	[spmem:s3] =	stream.indirect.scatter.add.f32 [tilespmem:s23], [sflag:$0x7], $0x80, s25, s25, $0xb8;
	[tilespmem:$0x1C400] =	vst v63  }
0xa7: {  	_ =	swait.ge [sflag:s24], $0x4000  }
0xa8: {  	s17 =	sadd.s32 s16, s21;
	[sflag:s24] =	ssyncset.done $0x0  }
0xa9: {  	s19 =	sadd.s32 $0x1000, s17;
	[sflag:s24] =	ssyncadd.s32 $0xFFFFC000  }
0xaa: {  	[tilespmem:s4], [sflag:$0x1] =	stream.linear.gather [hbm4b:s19+s4], $0x80, $0x38;
	[tilespmem:$0x1C400] =	vst v63  }
0xab: {  	s19 =	sadd.s32 $0x1010, s17  }
0xac: {  	[tilespmem:s25], [sflag:$0x1] =	stream.linear.gather [hbm4b:s19+s4], $0x80, $0x38;
	[tilespmem:$0x1C400] =	vst v63  }
0xad: {  	_ =	swait.ge [sflag:s10], $0x80  }
0xae: {  	[sflag:s10] =	ssyncset.done $0x0  }
0xaf: {  	[sflag:s10] =	ssyncadd.s32 $0xFFFFFF80  }
0xb0: {  	_ =	swait.ge [sflag:s10], $0x80  }
0xb1: {  	[sflag:s10] =	ssyncset.done $0x0  }
0xb2: {  	[sflag:s10] =	ssyncadd.s32 $0xFFFFFF80  }
0xb3: {  	[tilespmem:s23], [sflag:$0x5] =	stream.indirect.gather [hbm4b:s0+s25], $0x80, s30, s25, $0xb8;
	[tilespmem:$0x1C400] =	vst v63  }
0xb4: {  	_ =	swait.ge [sflag:s11], $0x4000  }
0xb5: {  	[sflag:s11] =	ssyncset.done $0x0  }
0xb6: {  	[sflag:s11] =	ssyncadd.s32 $0xFFFFC000  }
0xb7: {  	[spmem:s3] =	stream.indirect.scatter.add.f32 [tilespmem:s2], [sflag:$0x7], $0x80, s28, s25, $0xb8;
	[tilespmem:$0x1C400] =	vst v63  }
0xb8: {  	_ =	swait.ge [sflag:s24], $0x4000  }
0xb9: {  	[sflag:s24] =	ssyncset.done $0x0  }
0xba: {  	s19 =	sadd.s32 $0x1400, s17;
	[sflag:s24] =	ssyncadd.s32 $0xFFFFC000  }
0xbb: {  	[tilespmem:s26], [sflag:$0x2] =	stream.linear.gather [hbm4b:s19+s4], $0x80, $0x38;
	[tilespmem:$0x1C400] =	vst v63  }
0xbc: {  	s17 =	sadd.s32 $0x1410, s17  }
0xbd: {  	[tilespmem:s28], [sflag:$0x2] =	stream.linear.gather [hbm4b:s17+s4], $0x80, $0x38;
	[tilespmem:$0x1C400] =	vst v63  }
0xbe: {  	_ =	swait.ge [sflag:s12], $0x80  }
0xbf: {  	[sflag:s12] =	ssyncset.done $0x0  }
0xc0: {  	[sflag:s12] =	ssyncadd.s32 $0xFFFFFF80  }
0xc1: {  	_ =	swait.ge [sflag:s12], $0x80  }
0xc2: {  	[sflag:s12] =	ssyncset.done $0x0  }
0xc3: {  	[sflag:s12] =	ssyncadd.s32 $0xFFFFFF80  }
0xc4: {  	[tilespmem:s2], [sflag:$0x6] =	stream.indirect.gather [hbm4b:s0+s25], $0x80, s7, s25, $0xb8;
	[tilespmem:$0x1C400] =	vst v63  }
0xc5: {  	_ =	swait.ge [sflag:s9], $0x4000  }
0xc6: {  	[sflag:s9] =	ssyncset.done $0x0  }
0xc7: {  	s17 =	sadd.s32 $0xFFFFFFE0, s15;
	[sflag:s9] =	ssyncadd.s32 $0xFFFFC000  }
0xc8: {  	[spmem:s3] =	stream.indirect.scatter.add.f32 [tilespmem:s23], [sflag:$0x7], $0x80, s31, s25, $0xb8;
	[tilespmem:$0x1C400] =	vst v63  }
0xc9: {  	p2 =	sgt.u32 s17, $0x9C3;
	_ =	swait.ge [sflag:s24], $0x4000  }
0xca: {  	s17 =	sadd.s32 @!p2 s16, s21;
	s19 =	simm.s32 @!p2 $0x200;
	[sflag:s24] =	ssyncset.done $0x0  }
0xcb: {  	s18 =	simm.s32 @!p2 $0x0;
	s20 =	sadd.s32 @!p2 $0x1800, s17;
	[sflag:s24] =	ssyncadd.s32 $0xFFFFC000  }
0xcc: {  	[tilespmem:s19], [sflag:$0x3] =	stream.linear.gather @!p2 [hbm4b:s20+s18], $0x80, $0x38;
	[tilespmem:$0x1C400] =	vst v63  }
0xcd: {  	s17 =	sadd.s32 @!p2 $0x1810, s17;
	s19 =	simm.s32 @!p2 $0x280  }
0xce: {  	[tilespmem:s19], [sflag:$0x3] =	stream.linear.gather @!p2 [hbm4b:s17+s18], $0x80, $0x38;
	[tilespmem:$0x1C400] =	vst v63  }
0xcf: {  	_ =	swait.ge [sflag:s29], $0x80  }
0xd0: {  	[sflag:s29] =	ssyncset.done $0x0  }
0xd1: {  	[sflag:s29] =	ssyncadd.s32 $0xFFFFFF80  }
0xd2: {  	_ =	swait.ge [sflag:s29], $0x80  }
0xd3: {  	[sflag:s29] =	ssyncset.done $0x0  }
0xd4: {  	[sflag:s29] =	ssyncadd.s32 $0xFFFFFF80  }
0xd5: {  	[tilespmem:s23], [sflag:$0x5] =	stream.indirect.gather [hbm4b:s0+s25], $0x80, s4, s25, $0xb8;
	[tilespmem:$0x1C400] =	vst v63  }
0xd6: {  	_ =	swait.ge [sflag:s11], $0x4000  }
0xd7: {  	[sflag:s11] =	ssyncset.done $0x0  }
0xd8: {  	[sflag:s11] =	ssyncadd.s32 $0xFFFFC000  }
0xd9: {  	[spmem:s3] =	stream.indirect.scatter.add.f32 [tilespmem:s2], [sflag:$0x7], $0x80, s8, s25, $0xb8;
	[tilespmem:$0x1C400] =	vst v63  }
0xda: {  	p2 =	sgt.u32 s15, $0x9C3;
	_ =	swait.ge [sflag:s24], $0x4000  }
0xdb: {  	s16 =	sadd.s32 @!p2 s16, s21;
	s17 =	simm.s32 @!p2 $0x300;
	[sflag:s24] =	ssyncset.done $0x0  }
0xdc: {  	s19 =	simm.s32 @!p2 $0x0;
	s18 =	sadd.s32 @!p2 $0x1C00, s16;
	[sflag:s24] =	ssyncadd.s32 $0xFFFFC000  }
0xdd: {  	[tilespmem:s17], [sflag:$0x4] =	stream.linear.gather @!p2 [hbm4b:s18+s19], $0x80, $0x38;
	[tilespmem:$0x1C400] =	vst v63  }
0xde: {  	s16 =	sadd.s32 @!p2 $0x1C10, s16;
	s17 =	simm.s32 @!p2 $0x380  }
0xdf: {  	[tilespmem:s17], [sflag:$0x4] =	stream.linear.gather @!p2 [hbm4b:s16+s19], $0x80, $0x38;
	[tilespmem:$0x1C400] =	vst v63  }
0xe0: {  	_ =	swait.ge [sflag:s1], $0x80  }
.Ltmp1:
0xe1: {  	[sflag:s1] =	ssyncset.done $0x0;
	(pc) =	sbr.rel @p1 .LBB2_4-.Ltmp1, $4  }
0xe2: {  	[sflag:s1] =	ssyncadd.s32 $0xFFFFFF80  }
0xe3: {  	_ =	swait.ge [sflag:s1], $0x80  }
0xe4: {  	[sflag:s1] =	ssyncset.done $0x0  }
0xe5: {  	s15 =	sadd.s32 $0x80, s15;
	[sflag:s1] =	ssyncadd.s32 $0xFFFFFF80  }
0xe6: {  	[tilespmem:s2], [sflag:$0x6] =	stream.indirect.gather [hbm4b:s0+s25], $0x80, s26, s25, $0xb8;
	[tilespmem:$0x1C400] =	vst v63  }
0xe7: {  	_ =	swait.ge [sflag:s9], $0x4000  }
0xe8: {  	[sflag:s9] =	ssyncset.done $0x0  }
0xe9: {  	[sflag:s9] =	ssyncadd.s32 $0xFFFFC000  }
0xea: {  	[spmem:s3] =	stream.indirect.scatter.add.f32 [tilespmem:s23], [sflag:$0x7], $0x80, s25, s25, $0xb8;
	[tilespmem:$0x1C400] =	vst v63  }
0xeb: {  	_ =	swait.ge [sflag:s24], $0x4000  }
0xec: {  	[sflag:s24] =	ssyncset.done $0x0  }
0xed: {  	[sflag:s24] =	ssyncadd.s32 $0xFFFFC000  }
0xee: {  	_ =	swait.ge [sflag:s11], $0x4000  }
0xef: {  	[sflag:s11] =	ssyncset.done $0x0  }
0xf0: {  	[sflag:s11] =	ssyncadd.s32 $0xFFFFC000  }
0xf1: {  	[spmem:s3] =	stream.indirect.scatter.add.f32 [tilespmem:s2], [sflag:$0x7], $0x80, s28, s25, $0xb8;
	[tilespmem:$0x1C400] =	vst v63  }
0xf2: {  	_ =	swait.ge [sflag:s24], $0x4000  }
0xf3: {  	[sflag:s24] =	ssyncset.done $0x0  }
0xf4: {  	s14 =	simm.s32 @!p0 $0x3;
	[sflag:s24] =	ssyncadd.s32 $0xFFFFC000  }
0xf5: {  	_ =	swait.ge @!p0 [sflag:s14], $0x80  }
0xf6: {  	[sflag:s14] =	ssyncset.done @!p0 $0x0  }
0xf7: {  	[sflag:s14] =	ssyncadd.s32 @!p0 $0xFFFFFF80  }
0xf8: {  	_ =	swait.ge @!p0 [sflag:s14], $0x80  }
0xf9: {  	s15 =	simm.s32 @!p0 $0x200;
	[sflag:s14] =	ssyncset.done @!p0 $0x0  }
0xfa: {  	s16 =	simm.s32 @!p0 $0x400;
	[sflag:s14] =	ssyncadd.s32 @!p0 $0xFFFFFF80;
	s14 =	simm.s32 @!p0 $0x80  }
0xfb: {  	[tilespmem:s16], [sflag:$0x5] =	stream.indirect.gather @!p0 [hbm4b:s0+s14], $0x80, s15, s14, $0xb8;
	[tilespmem:$0x1C400] =	vst v63  }
0xfc: {  	s15 =	simm.s32 @!p0 $0x5  }
0xfd: {  	_ =	swait.ge @!p0 [sflag:s15], $0x4000  }
0xfe: {  	[sflag:s15] =	ssyncset.done @!p0 $0x0  }
0xff: {  	[sflag:s15] =	ssyncadd.s32 @!p0 $0xFFFFC000;
	s15 =	simm.s32 @!p0 $0x280  }
0x100: {  	[spmem:s3] =	stream.indirect.scatter.add.f32 @!p0 [tilespmem:s16], [sflag:$0x7], $0x80, s15, s14, $0xb8;
	[tilespmem:$0x1C400] =	vst v63  }
0x101: {  	s14 =	simm.s32 @!p0 $0x7  }
0x102: {  	_ =	swait.ge @!p0 [sflag:s14], $0x4000  }
0x103: {  	[sflag:s14] =	ssyncset.done @!p0 $0x0  }
0x104: {  	[sflag:s14] =	ssyncadd.s32 @!p0 $0xFFFFC000  }
0x105: {  	[bflag:$0x0] =	sbarrier.arrive $0xFFFF  }
0x106: {  	s17 =	rddreg [dreg:$0x10]  }
0x107: {  	s18 =	sshrl.u32 s5, $0x3;
	s19 =	rddreg [dreg:$0xc];
	s14 =	sor.u32 $0x1C07, s17  }
0x108: {  	[hbm:s19], [sflag:s14] =	dma.local [spmem:s18], $0x2800  }
0x109: {  	_ =	swait.ge [sflag:s24], $0x2800  }
0x10a: {  	s13 =	sadd.s32 $0x1, s13;
	s20 =	rddreg [dreg:$0xd]  }
0x10b: {  	p1 =	sne.s32 s13, s20  }
.Ltmp2:
0x10c: {  	_ = 	snop;
	(pc) =	sbr.rel @p1 .LBB2_1-.Ltmp2, $3  }
0x10d: {  	_ =	sdelay $0x1  }
0x10e: {  	[sflag:s24] =	ssyncset.done $0x0  }
0x10f: {  	[sflag:s24] =	ssyncadd.s32 $0xFFFFD800  }
0x110: {  	_ =	sfence.sel $0x180000  }
0x111: {  	[bflag:$0x0] =	sbarrier.arrive $0xFFFF  }
0x112: {  	_ =	strace $0x90000047  }
0x113: {  	s0 =	stileid.u32;
	[bflag:$0x2] =	sbarrier.arrive $0xFFFF  }
0x114: {  	p0 =	sne.s32 s0, $0x0;
	s0 =	rddreg [dreg:$0x4]  }
0x115: {  	s0 =	sadd.s32 @!p0 $0x100000, s0  }
0x116: {  	[sflag:s0] =	ssyncadd.tile.s32 @!p0 $0x1;
	_ =	shalt  }
.Lfunc_end2:
_tile_overlayer_lowered:
.L_overlay_start_2:
0x117: {  	(tag) =	ssettag $0x2  }
0x118: {  	s0 =	rddreg [dreg:$0x0];
	s2 =	stileid.u32  }
0x119: {  	s1 =	rddreg [dreg:$0x1];
	p0 =	sne.s32 s2, $0x0  }
0x11a: {  	s3 =	rddreg [dreg:$0x2];
	[bflag:$0x3] =	sbarrier.arrive $0xFFFF;
	s2 =	simm.s32 @!p0 $0x1C07  }
0x11b: {  	[timem:s3], [sflag:s2] =	dma.local @!p0 [hbm:s0], s1  }
0x11c: {  	s0 =	simm.s32 @!p0 $0x7  }
0x11d: {  	_ =	swait.ge @!p0 [sflag:s0], s1  }
0x11e: {  	s1 =	ssub.s32 @!p0 $0x0, s1;
	[sflag:s0] =	ssyncset.done @!p0 $0x0  }
0x11f: {  	[sflag:s0] =	ssyncadd.s32 @!p0 s1  }
0x120: {  	[bflag:$0x3] =	sbarrier.arrive $0xFFFF  }
0x121: {  	_ =	shalt  }

</sc_bundles>
